<compile_context>
chip_gen: v7x
topology: tpu7x:2x2x1
jax: 0.10.2.dev20260603
libtpu: 0.0.44.dev20260713+nightly
codegen_flags: <defaults>
</compile_context>

<pallas_src>
import functools

import jax
import jax.numpy as jnp
from jax import lax
from jax.experimental import pallas as pl
from jax.experimental.pallas import tpu as pltpu
import jax.experimental.pallas.tpu_sc as plsc

N = 320000
D = 128
S = 2048
NC = 2
NS = 16
NW = NC * NS
C = 80
NCHUNKS = 50
RPT = NCHUNKS * C
NSC = NW * RPT
NBUF = 5
PD = 3
NOUTER = NCHUNKS // NBUF
SROWS = S // NS
LANES = 16

R = 6400
B = (N - NSC) // R
W = 48


def _tile_body(nodes_hbm, batch2d_hbm, pout_hbm,
               rows_v, ids_v, zbuf_v, acc_sh, *sems):
    rsems = sems[:NBUF]
    ssems = sems[NBUF:]
    sid = lax.axis_index("s")
    cid = lax.axis_index("c")
    wid = cid * NS + sid
    row0 = wid * RPT

    def chunk_base(k):
        return pl.multiple_of(jnp.minimum(row0 + k * C, N - C), 8)

    def fetch(k, b):
        pltpu.async_copy(nodes_hbm.at[pl.ds(chunk_base(k), C)],
                         rows_v.at[b], rsems[b])

    def wait_fetch(k, b):
        pltpu.make_async_copy(
            nodes_hbm.at[pl.ds(chunk_base(k), C)],
            rows_v.at[b], rsems[b]).wait()

    def scatter(k, b):
        pltpu.async_copy(rows_v.at[b], acc_sh.at[ids_v.at[k]],
                         ssems[b], add=True)

    def wait_scatter(k, b):
        pltpu.make_async_copy(
            rows_v.at[b], acc_sh.at[ids_v.at[k]], ssems[b]).wait()

    pltpu.sync_copy(batch2d_hbm.at[wid], ids_v)
    for b in range(PD):
        fetch(jnp.int32(b), b)

    zz = jnp.zeros((LANES,), jnp.float32)

    def zero_row(i, carry):
        for j in range(D // LANES):
            zbuf_v[i, pl.ds(j * LANES, LANES)] = zz
        return carry

    lax.fori_loop(0, SROWS, zero_row, 0)
    pltpu.sync_copy(zbuf_v, acc_sh.at[pl.ds(sid * SROWS, SROWS)])
    plsc.subcore_barrier()

    def outer(k0, carry):
        for b in range(NBUF):
            k = k0 * NBUF + b
            wait_fetch(k, b)
            b2 = (b + PD) % NBUF
            if b in (0, 1):
                @pl.when(k0 > 0)
                def _():
                    wait_scatter(k - 2, b2)
            else:
                wait_scatter(k - 2, b2)
            scatter(k, b)
            fetch(k + PD, b2)
        return carry

    lax.fori_loop(0, NOUTER, outer, 0)

    for b in range(PD):
        wait_fetch(NCHUNKS + b, b)
    wait_scatter(NCHUNKS - 2, NBUF - 2)
    wait_scatter(NCHUNKS - 1, NBUF - 1)

    plsc.subcore_barrier()
    pltpu.sync_copy(acc_sh.at[pl.ds(sid * SROWS, SROWS)],
                    pout_hbm.at[cid].at[pl.ds(sid * SROWS, SROWS)])


@functools.partial(
    pl.kernel,
    out_type=jax.ShapeDtypeStruct((NC, S, D), jnp.float32),
    mesh=plsc.VectorSubcoreMesh(core_axis_name="c", subcore_axis_name="s"),
    scratch_types=[
        pltpu.VMEM((NBUF, C, D), jnp.float32),
        pltpu.VMEM((NCHUNKS, C), jnp.int32),
        pltpu.VMEM((SROWS, D), jnp.float32),
        pltpu.MemorySpace.VMEM_SHARED((S, D), jnp.float32),
    ] + [pltpu.SemaphoreType.DMA] * (2 * NBUF),
)
def _segment_sum_sc(nodes_hbm, batch2d_hbm, pout_hbm,
                    rows_v, ids_v, zbuf_v, acc_sh, *sems):
    _tile_body(nodes_hbm, batch2d_hbm, pout_hbm,
               rows_v, ids_v, zbuf_v, acc_sh, *sems)


def _tc_body(ids_ref, x_ref, o_ref):
    @pl.when(pl.program_id(0) == 0)
    def _():
        o_ref[...] = jnp.zeros((S, D), jnp.float32)

    idv = ids_ref[0]
    x = x_ref[...]
    first = jnp.min(idv)
    last = jnp.max(idv)
    wiota = lax.broadcasted_iota(jnp.int32, (W, R), 0)

    def cond(ws):
        return ws <= last

    def body(ws):
        lws = jnp.minimum(ws, S - W)
        oh = (idv + jnp.zeros((W, R), jnp.int32) == lws + wiota)
        win = jax.lax.dot_general(
            oh.astype(jnp.float32), x, (((1,), (0,)), ((), ())),
            preferred_element_type=jnp.float32)
        o_ref[pl.ds(lws, W), :] += win
        nxt = jnp.min(jnp.where(idv >= lws + W, idv, jnp.int32(S + W)))
        return nxt

    lax.while_loop(cond, body, first)


def _tc_partial(ids_tc, rows_tc):
    return pl.pallas_call(
        _tc_body,
        grid=(B,),
        in_specs=[
            pl.BlockSpec((1, 1, R), lambda i: (i, 0, 0)),
            pl.BlockSpec((R, D), lambda i: (NSC // R + i, 0)),
        ],
        out_specs=pl.BlockSpec((S, D), lambda i: (0, 0)),
        out_shape=jax.ShapeDtypeStruct((S, D), jnp.float32),
    )(ids_tc, rows_tc)


def _combine_body(p_ref, t_ref, o_ref):
    o_ref[...] = p_ref[0] + p_ref[1] + t_ref[...]


def _combine(partials, ptc):
    blk = 256
    return pl.pallas_call(
        _combine_body,
        grid=(S // blk,),
        in_specs=[
            pl.BlockSpec((NC, blk, D), lambda i: (0, i, 0)),
            pl.BlockSpec((blk, D), lambda i: (i, 0)),
        ],
        out_specs=pl.BlockSpec((blk, D), lambda i: (i, 0)),
        out_shape=jax.ShapeDtypeStruct((S, D), jnp.float32),
    )(partials, ptc)


def kernel(node_features, batch, ptr):
    partials = _segment_sum_sc(
        node_features, batch[:NSC].reshape(NW, NCHUNKS, C))
    ptc = _tc_partial(batch[NSC:].reshape(B, 1, R), node_features)
    return _combine(partials, ptc)

# --- scband reference (transcript-rebuilt; emitter-appended) ---
"""Pipeline reference for scband-atomwise-reduce-basic-8237747274342 (READ-ONLY COPY).

The authoritative reference and input builder live on the scoring server;
editing this copy changes nothing except your own understanding.
"""

import jax, jax.numpy as jnp
import numpy as np

N = 320000
D = 128
S = 2048

def setup_inputs(seed: int = 0) -> dict:
    key = jax.random.key(seed)
    k1, k2 = jax.random.split(key)
    node_features = jax.random.normal(k1, (N, D), dtype=jnp.float32)
    batch = jnp.sort(jax.random.randint(k2, (N,), 0, S).astype(jnp.int32))
    ptr = jnp.arange(S + 1, dtype=jnp.int32)
    return {"node_features": node_features, "batch": batch, "ptr": ptr}

def reference(node_features, batch, ptr):
    # AtomwiseReduceBasic with reduce='sum', no atom masking, constant=1.0:
    # result = scatter(field, batch, dim=0, dim_size=len(ptr)-1, reduce='sum')
    num_segments = ptr.shape[0] - 1
    result = jax.ops.segment_sum(node_features, batch, num_segments=num_segments)
    # module writes data[out_field] = result; return the reduced tensor
    return result

if __name__ == "__main__":
    import jax
    _d = setup_inputs()
    print(jax.jit(kernel)(*tuple(_d.values())))

</pallas_src>

<mosaic_0001>
#map = affine_map<(d0, d1) -> (0, 0)>
#map1 = affine_map<(d0, d1) -> (0, 0, 0)>
module attributes {stable_mosaic.version = 14 : i64} {
  func.func @_segment_sum_sc(%arg0: i32, %arg1: i32, %arg2: memref<320000x128xf32, #tpu.memory_space<hbm>>, %arg3: memref<32x50x80xi32, #tpu.memory_space<hbm>>, %arg4: memref<2x2048x128xf32, #tpu.memory_space<hbm>>, %arg5: memref<5x80x128xf32, #tpu.memory_space<vmem>>, %arg6: memref<50x80xi32, #tpu.memory_space<vmem>>, %arg7: memref<128x128xf32, #tpu.memory_space<vmem>>, %arg8: memref<2048x128xf32, #tpu.memory_space<vmem_shared>>, %arg9: memref<!tpu.dma_semaphore, #tpu.memory_space<semaphore_mem>>, %arg10: memref<!tpu.dma_semaphore, #tpu.memory_space<semaphore_mem>>, %arg11: memref<!tpu.dma_semaphore, #tpu.memory_space<semaphore_mem>>, %arg12: memref<!tpu.dma_semaphore, #tpu.memory_space<semaphore_mem>>, %arg13: memref<!tpu.dma_semaphore, #tpu.memory_space<semaphore_mem>>, %arg14: memref<!tpu.dma_semaphore, #tpu.memory_space<semaphore_mem>>, %arg15: memref<!tpu.dma_semaphore, #tpu.memory_space<semaphore_mem>>, %arg16: memref<!tpu.dma_semaphore, #tpu.memory_space<semaphore_mem>>, %arg17: memref<!tpu.dma_semaphore, #tpu.memory_space<semaphore_mem>>, %arg18: memref<!tpu.dma_semaphore, #tpu.memory_space<semaphore_mem>>) attributes {dimension_semantics = [#tpu.dimension_semantics<core_parallel>, #tpu.dimension_semantics<subcore_parallel>], iteration_bounds = array<i64: 2, 16>, scalar_prefetch = 0 : i64, scratch_operands = 14 : i64, tpu.core_type = #tpu.core_type<sc_vector_subcore>, window_params = [{transform_indices = #map}, {transform_indices = #map1}, {transform_indices = #map1}]} {
    %mul3A = arith.constant 16 : i32
    %mul3A_0 = arith.muli %arg0, %mul3A : i32
    %add3A = arith.addi %mul3A_0, %arg1 : i32
    %mul3A_1 = arith.constant 4000 : i32
    %mul3A_2 = arith.muli %add3A, %mul3A_1 : i32
    "tpu.region"() ({
      %run_scoped3A = tpu.sem_alloc : memref<!tpu.dma_semaphore, #tpu.memory_space<semaphore_mem>>
      %dma_start3A_156 = arith.constant 0 : i32
      %dma_start3A_157 = arith.constant 0 : i32
      %dma_start3A_158 = tpu.memref_slice %arg3[%add3A, %dma_start3A_156, %dma_start3A_157] : memref<32x50x80xi32, #tpu.memory_space<hbm>> -> memref<1x50x80xi32, #tpu.memory_space<hbm>>
      %dma_start3A_159 = tpu.memref_squeeze %dma_start3A_158 : memref<1x50x80xi32, #tpu.memory_space<hbm>> -> memref<50x80xi32, #tpu.memory_space<hbm>>
      %dma_start3A_160 = arith.constant 0 : i32
      %dma_start3A_161 = arith.constant 0 : i32
      %dma_start3A_162 = tpu.memref_slice %arg3[%add3A, %dma_start3A_160, %dma_start3A_161] : memref<32x50x80xi32, #tpu.memory_space<hbm>> -> memref<1x50x80xi32, #tpu.memory_space<hbm>>
      %dma_start3A_163 = tpu.memref_squeeze %dma_start3A_162 : memref<1x50x80xi32, #tpu.memory_space<hbm>> -> memref<50x80xi32, #tpu.memory_space<hbm>>
      tpu.enqueue_dma source(%dma_start3A_163 : memref<50x80xi32, #tpu.memory_space<hbm>>) target(%arg6 : memref<50x80xi32, #tpu.memory_space<vmem>>) target_semaphore(%run_scoped3A : memref<!tpu.dma_semaphore, #tpu.memory_space<semaphore_mem>>)
      %dma_wait3A_164 = arith.constant 0 : i32
      %dma_wait3A_165 = arith.constant 0 : i32
      %dma_wait3A_166 = tpu.memref_slice %arg3[%add3A, %dma_wait3A_164, %dma_wait3A_165] : memref<32x50x80xi32, #tpu.memory_space<hbm>> -> memref<1x50x80xi32, #tpu.memory_space<hbm>>
      %dma_wait3A_167 = tpu.memref_squeeze %dma_wait3A_166 : memref<1x50x80xi32, #tpu.memory_space<hbm>> -> memref<50x80xi32, #tpu.memory_space<hbm>>
      %dma_wait3A_168 = arith.constant 0 : i32
      %dma_wait3A_169 = arith.constant 0 : i32
      %dma_wait3A_170 = tpu.memref_slice %arg3[%add3A, %dma_wait3A_168, %dma_wait3A_169] : memref<32x50x80xi32, #tpu.memory_space<hbm>> -> memref<1x50x80xi32, #tpu.memory_space<hbm>>
      %dma_wait3A_171 = tpu.memref_squeeze %dma_wait3A_170 : memref<1x50x80xi32, #tpu.memory_space<hbm>> -> memref<50x80xi32, #tpu.memory_space<hbm>>
      tpu.wait_dma2 semaphore(%run_scoped3A : memref<!tpu.dma_semaphore, #tpu.memory_space<semaphore_mem>>) src(%dma_wait3A_171 : memref<50x80xi32, #tpu.memory_space<hbm>>) dst(%arg6 : memref<50x80xi32, #tpu.memory_space<vmem>>)
      tpu.yield
    }) : () -> ()
    %mul3A_3 = arith.constant 0 : i32
    %mul3A_4 = arith.constant 80 : i32
    %mul3A_5 = arith.muli %mul3A_3, %mul3A_4 : i32
    %add3A_6 = arith.addi %mul3A_2, %mul3A_5 : i32
    %min3A = arith.constant 319920 : i32
    %min3A_7 = arith.minsi %add3A_6, %min3A : i32
    %multiple_of3A = tpu.assume_multiple %min3A_7, 8 : i32
    %dma_start3A = arith.constant 0 : i32
    %dma_start3A_8 = arith.constant 0 : i32
    %dma_start3A_9 = arith.constant 0 : i32
    %dma_start3A_10 = tpu.memref_slice %arg5[%dma_start3A, %dma_start3A_8, %dma_start3A_9] : memref<5x80x128xf32, #tpu.memory_space<vmem>> -> memref<1x80x128xf32, #tpu.memory_space<vmem>>
    %dma_start3A_11 = tpu.memref_squeeze %dma_start3A_10 : memref<1x80x128xf32, #tpu.memory_space<vmem>> -> memref<80x128xf32, #tpu.memory_space<vmem>>
    %dma_start3A_12 = arith.constant 0 : i32
    %dma_start3A_13 = tpu.memref_slice %arg2[%multiple_of3A, %dma_start3A_12] : memref<320000x128xf32, #tpu.memory_space<hbm>> -> memref<80x128xf32, #tpu.memory_space<hbm>>
    %dma_start3A_14 = arith.constant 0 : i32
    %dma_start3A_15 = arith.constant 0 : i32
    %dma_start3A_16 = tpu.memref_slice %arg5[%dma_start3A, %dma_start3A_14, %dma_start3A_15] : memref<5x80x128xf32, #tpu.memory_space<vmem>> -> memref<1x80x128xf32, #tpu.memory_space<vmem>>
    %dma_start3A_17 = tpu.memref_squeeze %dma_start3A_16 : memref<1x80x128xf32, #tpu.memory_space<vmem>> -> memref<80x128xf32, #tpu.memory_space<vmem>>
    %dma_start3A_18 = arith.constant 0 : i32
    %dma_start3A_19 = tpu.memref_slice %arg2[%multiple_of3A, %dma_start3A_18] : memref<320000x128xf32, #tpu.memory_space<hbm>> -> memref<80x128xf32, #tpu.memory_space<hbm>>
    tpu.enqueue_dma source(%dma_start3A_19 : memref<80x128xf32, #tpu.memory_space<hbm>>) target(%dma_start3A_17 : memref<80x128xf32, #tpu.memory_space<vmem>>) target_semaphore(%arg9 : memref<!tpu.dma_semaphore, #tpu.memory_space<semaphore_mem>>)
    %mul3A_20 = arith.constant 1 : i32
    %mul3A_21 = arith.constant 80 : i32
    %mul3A_22 = arith.muli %mul3A_20, %mul3A_21 : i32
    %add3A_23 = arith.addi %mul3A_2, %mul3A_22 : i32
    %min3A_24 = arith.constant 319920 : i32
    %min3A_25 = arith.minsi %add3A_23, %min3A_24 : i32
    %multiple_of3A_26 = tpu.assume_multiple %min3A_25, 8 : i32
    %dma_start3A_27 = arith.constant 1 : i32
    %dma_start3A_28 = arith.constant 0 : i32
    %dma_start3A_29 = arith.constant 0 : i32
    %dma_start3A_30 = tpu.memref_slice %arg5[%dma_start3A_27, %dma_start3A_28, %dma_start3A_29] : memref<5x80x128xf32, #tpu.memory_space<vmem>> -> memref<1x80x128xf32, #tpu.memory_space<vmem>>
    %dma_start3A_31 = tpu.memref_squeeze %dma_start3A_30 : memref<1x80x128xf32, #tpu.memory_space<vmem>> -> memref<80x128xf32, #tpu.memory_space<vmem>>
    %dma_start3A_32 = arith.constant 0 : i32
    %dma_start3A_33 = tpu.memref_slice %arg2[%multiple_of3A_26, %dma_start3A_32] : memref<320000x128xf32, #tpu.memory_space<hbm>> -> memref<80x128xf32, #tpu.memory_space<hbm>>
    %dma_start3A_34 = arith.constant 0 : i32
    %dma_start3A_35 = arith.constant 0 : i32
    %dma_start3A_36 = tpu.memref_slice %arg5[%dma_start3A_27, %dma_start3A_34, %dma_start3A_35] : memref<5x80x128xf32, #tpu.memory_space<vmem>> -> memref<1x80x128xf32, #tpu.memory_space<vmem>>
    %dma_start3A_37 = tpu.memref_squeeze %dma_start3A_36 : memref<1x80x128xf32, #tpu.memory_space<vmem>> -> memref<80x128xf32, #tpu.memory_space<vmem>>
    %dma_start3A_38 = arith.constant 0 : i32
    %dma_start3A_39 = tpu.memref_slice %arg2[%multiple_of3A_26, %dma_start3A_38] : memref<320000x128xf32, #tpu.memory_space<hbm>> -> memref<80x128xf32, #tpu.memory_space<hbm>>
    tpu.enqueue_dma source(%dma_start3A_39 : memref<80x128xf32, #tpu.memory_space<hbm>>) target(%dma_start3A_37 : memref<80x128xf32, #tpu.memory_space<vmem>>) target_semaphore(%arg10 : memref<!tpu.dma_semaphore, #tpu.memory_space<semaphore_mem>>)
    %mul3A_40 = arith.constant 2 : i32
    %mul3A_41 = arith.constant 80 : i32
    %mul3A_42 = arith.muli %mul3A_40, %mul3A_41 : i32
    %add3A_43 = arith.addi %mul3A_2, %mul3A_42 : i32
    %min3A_44 = arith.constant 319920 : i32
    %min3A_45 = arith.minsi %add3A_43, %min3A_44 : i32
    %multiple_of3A_46 = tpu.assume_multiple %min3A_45, 8 : i32
    %dma_start3A_47 = arith.constant 2 : i32
    %dma_start3A_48 = arith.constant 0 : i32
    %dma_start3A_49 = arith.constant 0 : i32
    %dma_start3A_50 = tpu.memref_slice %arg5[%dma_start3A_47, %dma_start3A_48, %dma_start3A_49] : memref<5x80x128xf32, #tpu.memory_space<vmem>> -> memref<1x80x128xf32, #tpu.memory_space<vmem>>
    %dma_start3A_51 = tpu.memref_squeeze %dma_start3A_50 : memref<1x80x128xf32, #tpu.memory_space<vmem>> -> memref<80x128xf32, #tpu.memory_space<vmem>>
    %dma_start3A_52 = arith.constant 0 : i32
    %dma_start3A_53 = tpu.memref_slice %arg2[%multiple_of3A_46, %dma_start3A_52] : memref<320000x128xf32, #tpu.memory_space<hbm>> -> memref<80x128xf32, #tpu.memory_space<hbm>>
    %dma_start3A_54 = arith.constant 0 : i32
    %dma_start3A_55 = arith.constant 0 : i32
    %dma_start3A_56 = tpu.memref_slice %arg5[%dma_start3A_47, %dma_start3A_54, %dma_start3A_55] : memref<5x80x128xf32, #tpu.memory_space<vmem>> -> memref<1x80x128xf32, #tpu.memory_space<vmem>>
    %dma_start3A_57 = tpu.memref_squeeze %dma_start3A_56 : memref<1x80x128xf32, #tpu.memory_space<vmem>> -> memref<80x128xf32, #tpu.memory_space<vmem>>
    %dma_start3A_58 = arith.constant 0 : i32
    %dma_start3A_59 = tpu.memref_slice %arg2[%multiple_of3A_46, %dma_start3A_58] : memref<320000x128xf32, #tpu.memory_space<hbm>> -> memref<80x128xf32, #tpu.memory_space<hbm>>
    tpu.enqueue_dma source(%dma_start3A_59 : memref<80x128xf32, #tpu.memory_space<hbm>>) target(%dma_start3A_57 : memref<80x128xf32, #tpu.memory_space<vmem>>) target_semaphore(%arg11 : memref<!tpu.dma_semaphore, #tpu.memory_space<semaphore_mem>>)
    %broadcast_in_dim3A = arith.constant 0.000000e+00 : f32
    %broadcast_in_dim3A_60 = vector.broadcast %broadcast_in_dim3A : f32 to vector<16xf32>
    %scan3A = arith.constant 0 : i32
    %scan3A_61 = arith.constant 0 : i32
    %scan3A_62 = arith.constant 128 : i32
    %scan3A_63 = arith.addi %scan3A_61, %scan3A_62 : i32
    %scan3A_64 = arith.constant 1 : i32
    scf.for %scan3A_156 = %scan3A_61 to %scan3A_63 step %scan3A_64  : i32 {
      %swap3A = arith.index_cast %scan3A_156 : i32 to index
      %swap3A_157 = arith.constant 0 : index
      %swap3A_158 = tpu.vector_load %arg7[%swap3A, %swap3A_157] {strides = array<i32>} : memref<128x128xf32, #tpu.memory_space<vmem>>, vector<1x16xf32>,
      %swap3A_159 = vector.shape_cast %swap3A_158 : vector<1x16xf32> to vector<16xf32>
      %swap3A_160 = vector.shape_cast %broadcast_in_dim3A_60 : vector<16xf32> to vector<1x16xf32>
      tpu.vector_store %arg7[%swap3A, %swap3A_157], %swap3A_160 {strides = array<i32>} : memref<128x128xf32, #tpu.memory_space<vmem>>, vector<1x16xf32>,
      %swap3A_161 = arith.index_cast %scan3A_156 : i32 to index
      %swap3A_162 = arith.constant 16 : index
      %swap3A_163 = tpu.vector_load %arg7[%swap3A_161, %swap3A_162] {strides = array<i32>} : memref<128x128xf32, #tpu.memory_space<vmem>>, vector<1x16xf32>,
      %swap3A_164 = vector.shape_cast %swap3A_163 : vector<1x16xf32> to vector<16xf32>
      %swap3A_165 = vector.shape_cast %broadcast_in_dim3A_60 : vector<16xf32> to vector<1x16xf32>
      tpu.vector_store %arg7[%swap3A_161, %swap3A_162], %swap3A_165 {strides = array<i32>} : memref<128x128xf32, #tpu.memory_space<vmem>>, vector<1x16xf32>,
      %swap3A_166 = arith.index_cast %scan3A_156 : i32 to index
      %swap3A_167 = arith.constant 32 : index
      %swap3A_168 = tpu.vector_load %arg7[%swap3A_166, %swap3A_167] {strides = array<i32>} : memref<128x128xf32, #tpu.memory_space<vmem>>, vector<1x16xf32>,
      %swap3A_169 = vector.shape_cast %swap3A_168 : vector<1x16xf32> to vector<16xf32>
      %swap3A_170 = vector.shape_cast %broadcast_in_dim3A_60 : vector<16xf32> to vector<1x16xf32>
      tpu.vector_store %arg7[%swap3A_166, %swap3A_167], %swap3A_170 {strides = array<i32>} : memref<128x128xf32, #tpu.memory_space<vmem>>, vector<1x16xf32>,
      %swap3A_171 = arith.index_cast %scan3A_156 : i32 to index
      %swap3A_172 = arith.constant 48 : index
      %swap3A_173 = tpu.vector_load %arg7[%swap3A_171, %swap3A_172] {strides = array<i32>} : memref<128x128xf32, #tpu.memory_space<vmem>>, vector<1x16xf32>,
      %swap3A_174 = vector.shape_cast %swap3A_173 : vector<1x16xf32> to vector<16xf32>
      %swap3A_175 = vector.shape_cast %broadcast_in_dim3A_60 : vector<16xf32> to vector<1x16xf32>
      tpu.vector_store %arg7[%swap3A_171, %swap3A_172], %swap3A_175 {strides = array<i32>} : memref<128x128xf32, #tpu.memory_space<vmem>>, vector<1x16xf32>,
      %swap3A_176 = arith.index_cast %scan3A_156 : i32 to index
      %swap3A_177 = arith.constant 64 : index
      %swap3A_178 = tpu.vector_load %arg7[%swap3A_176, %swap3A_177] {strides = array<i32>} : memref<128x128xf32, #tpu.memory_space<vmem>>, vector<1x16xf32>,
      %swap3A_179 = vector.shape_cast %swap3A_178 : vector<1x16xf32> to vector<16xf32>
      %swap3A_180 = vector.shape_cast %broadcast_in_dim3A_60 : vector<16xf32> to vector<1x16xf32>
      tpu.vector_store %arg7[%swap3A_176, %swap3A_177], %swap3A_180 {strides = array<i32>} : memref<128x128xf32, #tpu.memory_space<vmem>>, vector<1x16xf32>,
      %swap3A_181 = arith.index_cast %scan3A_156 : i32 to index
      %swap3A_182 = arith.constant 80 : index
      %swap3A_183 = tpu.vector_load %arg7[%swap3A_181, %swap3A_182] {strides = array<i32>} : memref<128x128xf32, #tpu.memory_space<vmem>>, vector<1x16xf32>,
      %swap3A_184 = vector.shape_cast %swap3A_183 : vector<1x16xf32> to vector<16xf32>
      %swap3A_185 = vector.shape_cast %broadcast_in_dim3A_60 : vector<16xf32> to vector<1x16xf32>
      tpu.vector_store %arg7[%swap3A_181, %swap3A_182], %swap3A_185 {strides = array<i32>} : memref<128x128xf32, #tpu.memory_space<vmem>>, vector<1x16xf32>,
      %swap3A_186 = arith.index_cast %scan3A_156 : i32 to index
      %swap3A_187 = arith.constant 96 : index
      %swap3A_188 = tpu.vector_load %arg7[%swap3A_186, %swap3A_187] {strides = array<i32>} : memref<128x128xf32, #tpu.memory_space<vmem>>, vector<1x16xf32>,
      %swap3A_189 = vector.shape_cast %swap3A_188 : vector<1x16xf32> to vector<16xf32>
      %swap3A_190 = vector.shape_cast %broadcast_in_dim3A_60 : vector<16xf32> to vector<1x16xf32>
      tpu.vector_store %arg7[%swap3A_186, %swap3A_187], %swap3A_190 {strides = array<i32>} : memref<128x128xf32, #tpu.memory_space<vmem>>, vector<1x16xf32>,
      %swap3A_191 = arith.index_cast %scan3A_156 : i32 to index
      %swap3A_192 = arith.constant 112 : index
      %swap3A_193 = tpu.vector_load %arg7[%swap3A_191, %swap3A_192] {strides = array<i32>} : memref<128x128xf32, #tpu.memory_space<vmem>>, vector<1x16xf32>,
      %swap3A_194 = vector.shape_cast %swap3A_193 : vector<1x16xf32> to vector<16xf32>
      %swap3A_195 = vector.shape_cast %broadcast_in_dim3A_60 : vector<16xf32> to vector<1x16xf32>
      tpu.vector_store %arg7[%swap3A_191, %swap3A_192], %swap3A_195 {strides = array<i32>} : memref<128x128xf32, #tpu.memory_space<vmem>>, vector<1x16xf32>,
    }
    %scan3A_65 = arith.constant 128 : i32
    %mul3A_66 = arith.constant 128 : i32
    %mul3A_67 = arith.muli %arg1, %mul3A_66 : i32
    "tpu.region"() ({
      %run_scoped3A = tpu.sem_alloc : memref<!tpu.dma_semaphore, #tpu.memory_space<semaphore_mem>>
      %dma_start3A_156 = arith.constant 0 : i32
      %dma_start3A_157 = tpu.memref_slice %arg8[%mul3A_67, %dma_start3A_156] : memref<2048x128xf32, #tpu.memory_space<vmem_shared>> -> memref<128x128xf32, #tpu.memory_space<vmem_shared>>
      %dma_start3A_158 = arith.constant 0 : i32
      %dma_start3A_159 = tpu.memref_slice %arg8[%mul3A_67, %dma_start3A_158] : memref<2048x128xf32, #tpu.memory_space<vmem_shared>> -> memref<128x128xf32, #tpu.memory_space<vmem_shared>>
      tpu.enqueue_dma source(%arg7 : memref<128x128xf32, #tpu.memory_space<vmem>>) target(%dma_start3A_159 : memref<128x128xf32, #tpu.memory_space<vmem_shared>>) target_semaphore(%run_scoped3A : memref<!tpu.dma_semaphore, #tpu.memory_space<semaphore_mem>>)
      %dma_wait3A_160 = arith.constant 0 : i32
      %dma_wait3A_161 = tpu.memref_slice %arg8[%mul3A_67, %dma_wait3A_160] : memref<2048x128xf32, #tpu.memory_space<vmem_shared>> -> memref<128x128xf32, #tpu.memory_space<vmem_shared>>
      %dma_wait3A_162 = arith.constant 0 : i32
      %dma_wait3A_163 = tpu.memref_slice %arg8[%mul3A_67, %dma_wait3A_162] : memref<2048x128xf32, #tpu.memory_space<vmem_shared>> -> memref<128x128xf32, #tpu.memory_space<vmem_shared>>
      tpu.wait_dma2 semaphore(%run_scoped3A : memref<!tpu.dma_semaphore, #tpu.memory_space<semaphore_mem>>) src(%arg7 : memref<128x128xf32, #tpu.memory_space<vmem>>) dst(%dma_wait3A_163 : memref<128x128xf32, #tpu.memory_space<vmem_shared>>)
      tpu.yield
    }) : () -> ()
    %barrier3A = arith.constant 0 : index
    tpu.barrier barrier_id(%barrier3A)
    %scan3A_68 = arith.constant 0 : i32
    %scan3A_69 = arith.constant 0 : i32
    %scan3A_70 = arith.constant 10 : i32
    %scan3A_71 = arith.addi %scan3A_69, %scan3A_70 : i32
    %scan3A_72 = arith.constant 1 : i32
    scf.for %scan3A_156 = %scan3A_69 to %scan3A_71 step %scan3A_72  : i32 {
      %mul3A_157 = arith.constant 5 : i32
      %mul3A_158 = arith.muli %scan3A_156, %mul3A_157 : i32
      %add3A_159 = arith.constant 0 : i32
      %add3A_160 = arith.addi %mul3A_158, %add3A_159 : i32
      %mul3A_161 = arith.constant 80 : i32
      %mul3A_162 = arith.muli %add3A_160, %mul3A_161 : i32
      %add3A_163 = arith.addi %mul3A_2, %mul3A_162 : i32
      %min3A_164 = arith.constant 319920 : i32
      %min3A_165 = arith.minsi %add3A_163, %min3A_164 : i32
      %multiple_of3A_166 = tpu.assume_multiple %min3A_165, 8 : i32
      %dma_wait3A_167 = arith.constant 0 : i32
      %dma_wait3A_168 = arith.constant 0 : i32
      %dma_wait3A_169 = arith.constant 0 : i32
      %dma_wait3A_170 = tpu.memref_slice %arg5[%dma_wait3A_167, %dma_wait3A_168, %dma_wait3A_169] : memref<5x80x128xf32, #tpu.memory_space<vmem>> -> memref<1x80x128xf32, #tpu.memory_space<vmem>>
      %dma_wait3A_171 = tpu.memref_squeeze %dma_wait3A_170 : memref<1x80x128xf32, #tpu.memory_space<vmem>> -> memref<80x128xf32, #tpu.memory_space<vmem>>
      %dma_wait3A_172 = arith.constant 0 : i32
      %dma_wait3A_173 = tpu.memref_slice %arg2[%multiple_of3A_166, %dma_wait3A_172] : memref<320000x128xf32, #tpu.memory_space<hbm>> -> memref<80x128xf32, #tpu.memory_space<hbm>>
      %dma_wait3A_174 = arith.constant 0 : i32
      %dma_wait3A_175 = arith.constant 0 : i32
      %dma_wait3A_176 = tpu.memref_slice %arg5[%dma_wait3A_167, %dma_wait3A_174, %dma_wait3A_175] : memref<5x80x128xf32, #tpu.memory_space<vmem>> -> memref<1x80x128xf32, #tpu.memory_space<vmem>>
      %dma_wait3A_177 = tpu.memref_squeeze %dma_wait3A_176 : memref<1x80x128xf32, #tpu.memory_space<vmem>> -> memref<80x128xf32, #tpu.memory_space<vmem>>
      %dma_wait3A_178 = arith.constant 0 : i32
      %dma_wait3A_179 = tpu.memref_slice %arg2[%multiple_of3A_166, %dma_wait3A_178] : memref<320000x128xf32, #tpu.memory_space<hbm>> -> memref<80x128xf32, #tpu.memory_space<hbm>>
      tpu.wait_dma2 semaphore(%arg9 : memref<!tpu.dma_semaphore, #tpu.memory_space<semaphore_mem>>) src(%dma_wait3A_179 : memref<80x128xf32, #tpu.memory_space<hbm>>) dst(%dma_wait3A_177 : memref<80x128xf32, #tpu.memory_space<vmem>>)
      %gt3A = arith.constant 0 : i32
      %gt3A_180 = arith.cmpi sgt, %scan3A_156, %gt3A : i32
      %convert_element_type3A = arith.extui %gt3A_180 : i1 to i32
      %cond3A = arith.constant 0 : i32
      %cond3A_181 = arith.cmpi ne, %convert_element_type3A, %cond3A : i32
      scf.if %cond3A_181 {
        %sub3A_477 = arith.constant 2 : i32
        %sub3A_478 = arith.subi %add3A_160, %sub3A_477 : i32
        %dma_wait3A_479 = arith.constant 3 : i32
        %dma_wait3A_480 = arith.constant 0 : i32
        %dma_wait3A_481 = arith.constant 0 : i32
        %dma_wait3A_482 = tpu.memref_slice %arg5[%dma_wait3A_479, %dma_wait3A_480, %dma_wait3A_481] : memref<5x80x128xf32, #tpu.memory_space<vmem>> -> memref<1x80x128xf32, #tpu.memory_space<vmem>>
        %dma_wait3A_483 = tpu.memref_squeeze %dma_wait3A_482 : memref<1x80x128xf32, #tpu.memory_space<vmem>> -> memref<80x128xf32, #tpu.memory_space<vmem>>
        %dma_wait3A_484 = arith.constant 0 : i32
        %dma_wait3A_485 = tpu.memref_slice %arg6[%sub3A_478, %dma_wait3A_484] : memref<50x80xi32, #tpu.memory_space<vmem>> -> memref<1x80xi32, #tpu.memory_space<vmem>>
        %dma_wait3A_486 = tpu.memref_squeeze %dma_wait3A_485 : memref<1x80xi32, #tpu.memory_space<vmem>> -> memref<80xi32, #tpu.memory_space<vmem>>
        %dma_wait3A_487 = arith.constant 0 : i32
        %dma_wait3A_488 = arith.constant 0 : i32
        %dma_wait3A_489 = tpu.memref_slice %arg8[%dma_wait3A_487, %dma_wait3A_488] : memref<2048x128xf32, #tpu.memory_space<vmem_shared>> -> memref<2048x128xf32, #tpu.memory_space<vmem_shared>>
        tpu.wait_indirect_dma semaphore(%arg17 : memref<!tpu.dma_semaphore, #tpu.memory_space<semaphore_mem>>) src(%dma_wait3A_483 : memref<80x128xf32, #tpu.memory_space<vmem>>) dst(%dma_wait3A_489 : memref<2048x128xf32, #tpu.memory_space<vmem_shared>>)
      } else {
      }
      %dma_start3A_182 = arith.constant 0 : i32
      %dma_start3A_183 = arith.constant 0 : i32
      %dma_start3A_184 = arith.constant 0 : i32
      %dma_start3A_185 = tpu.memref_slice %arg5[%dma_start3A_182, %dma_start3A_183, %dma_start3A_184] : memref<5x80x128xf32, #tpu.memory_space<vmem>> -> memref<1x80x128xf32, #tpu.memory_space<vmem>>
      %dma_start3A_186 = tpu.memref_squeeze %dma_start3A_185 : memref<1x80x128xf32, #tpu.memory_space<vmem>> -> memref<80x128xf32, #tpu.memory_space<vmem>>
      %dma_start3A_187 = arith.constant 0 : i32
      %dma_start3A_188 = tpu.memref_slice %arg6[%add3A_160, %dma_start3A_187] : memref<50x80xi32, #tpu.memory_space<vmem>> -> memref<1x80xi32, #tpu.memory_space<vmem>>
      %dma_start3A_189 = tpu.memref_squeeze %dma_start3A_188 : memref<1x80xi32, #tpu.memory_space<vmem>> -> memref<80xi32, #tpu.memory_space<vmem>>
      %dma_start3A_190 = arith.constant 0 : i32
      %dma_start3A_191 = arith.constant 0 : i32
      %dma_start3A_192 = tpu.memref_slice %arg8[%dma_start3A_190, %dma_start3A_191] : memref<2048x128xf32, #tpu.memory_space<vmem_shared>> -> memref<2048x128xf32, #tpu.memory_space<vmem_shared>>
      tpu.enqueue_indirect_dma source(%dma_start3A_186 : memref<80x128xf32, #tpu.memory_space<vmem>>) target(%dma_start3A_192 : memref<2048x128xf32, #tpu.memory_space<vmem_shared>>) offsets(%dma_start3A_189 : memref<80xi32, #tpu.memory_space<vmem>>) semaphore(%arg14 : memref<!tpu.dma_semaphore, #tpu.memory_space<semaphore_mem>>) {add = true}
      %add3A_193 = arith.constant 3 : i32
      %add3A_194 = arith.addi %add3A_160, %add3A_193 : i32
      %mul3A_195 = arith.constant 80 : i32
      %mul3A_196 = arith.muli %add3A_194, %mul3A_195 : i32
      %add3A_197 = arith.addi %mul3A_2, %mul3A_196 : i32
      %min3A_198 = arith.constant 319920 : i32
      %min3A_199 = arith.minsi %add3A_197, %min3A_198 : i32
      %multiple_of3A_200 = tpu.assume_multiple %min3A_199, 8 : i32
      %dma_start3A_201 = arith.constant 3 : i32
      %dma_start3A_202 = arith.constant 0 : i32
      %dma_start3A_203 = arith.constant 0 : i32
      %dma_start3A_204 = tpu.memref_slice %arg5[%dma_start3A_201, %dma_start3A_202, %dma_start3A_203] : memref<5x80x128xf32, #tpu.memory_space<vmem>> -> memref<1x80x128xf32, #tpu.memory_space<vmem>>
      %dma_start3A_205 = tpu.memref_squeeze %dma_start3A_204 : memref<1x80x128xf32, #tpu.memory_space<vmem>> -> memref<80x128xf32, #tpu.memory_space<vmem>>
      %dma_start3A_206 = arith.constant 0 : i32
      %dma_start3A_207 = tpu.memref_slice %arg2[%multiple_of3A_200, %dma_start3A_206] : memref<320000x128xf32, #tpu.memory_space<hbm>> -> memref<80x128xf32, #tpu.memory_space<hbm>>
      %dma_start3A_208 = arith.constant 0 : i32
      %dma_start3A_209 = arith.constant 0 : i32
      %dma_start3A_210 = tpu.memref_slice %arg5[%dma_start3A_201, %dma_start3A_208, %dma_start3A_209] : memref<5x80x128xf32, #tpu.memory_space<vmem>> -> memref<1x80x128xf32, #tpu.memory_space<vmem>>
      %dma_start3A_211 = tpu.memref_squeeze %dma_start3A_210 : memref<1x80x128xf32, #tpu.memory_space<vmem>> -> memref<80x128xf32, #tpu.memory_space<vmem>>
      %dma_start3A_212 = arith.constant 0 : i32
      %dma_start3A_213 = tpu.memref_slice %arg2[%multiple_of3A_200, %dma_start3A_212] : memref<320000x128xf32, #tpu.memory_space<hbm>> -> memref<80x128xf32, #tpu.memory_space<hbm>>
      tpu.enqueue_dma source(%dma_start3A_213 : memref<80x128xf32, #tpu.memory_space<hbm>>) target(%dma_start3A_211 : memref<80x128xf32, #tpu.memory_space<vmem>>) target_semaphore(%arg12 : memref<!tpu.dma_semaphore, #tpu.memory_space<semaphore_mem>>)
      %mul3A_214 = arith.constant 5 : i32
      %mul3A_215 = arith.muli %scan3A_156, %mul3A_214 : i32
      %add3A_216 = arith.constant 1 : i32
      %add3A_217 = arith.addi %mul3A_215, %add3A_216 : i32
      %mul3A_218 = arith.constant 80 : i32
      %mul3A_219 = arith.muli %add3A_217, %mul3A_218 : i32
      %add3A_220 = arith.addi %mul3A_2, %mul3A_219 : i32
      %min3A_221 = arith.constant 319920 : i32
      %min3A_222 = arith.minsi %add3A_220, %min3A_221 : i32
      %multiple_of3A_223 = tpu.assume_multiple %min3A_222, 8 : i32
      %dma_wait3A_224 = arith.constant 1 : i32
      %dma_wait3A_225 = arith.constant 0 : i32
      %dma_wait3A_226 = arith.constant 0 : i32
      %dma_wait3A_227 = tpu.memref_slice %arg5[%dma_wait3A_224, %dma_wait3A_225, %dma_wait3A_226] : memref<5x80x128xf32, #tpu.memory_space<vmem>> -> memref<1x80x128xf32, #tpu.memory_space<vmem>>
      %dma_wait3A_228 = tpu.memref_squeeze %dma_wait3A_227 : memref<1x80x128xf32, #tpu.memory_space<vmem>> -> memref<80x128xf32, #tpu.memory_space<vmem>>
      %dma_wait3A_229 = arith.constant 0 : i32
      %dma_wait3A_230 = tpu.memref_slice %arg2[%multiple_of3A_223, %dma_wait3A_229] : memref<320000x128xf32, #tpu.memory_space<hbm>> -> memref<80x128xf32, #tpu.memory_space<hbm>>
      %dma_wait3A_231 = arith.constant 0 : i32
      %dma_wait3A_232 = arith.constant 0 : i32
      %dma_wait3A_233 = tpu.memref_slice %arg5[%dma_wait3A_224, %dma_wait3A_231, %dma_wait3A_232] : memref<5x80x128xf32, #tpu.memory_space<vmem>> -> memref<1x80x128xf32, #tpu.memory_space<vmem>>
      %dma_wait3A_234 = tpu.memref_squeeze %dma_wait3A_233 : memref<1x80x128xf32, #tpu.memory_space<vmem>> -> memref<80x128xf32, #tpu.memory_space<vmem>>
      %dma_wait3A_235 = arith.constant 0 : i32
      %dma_wait3A_236 = tpu.memref_slice %arg2[%multiple_of3A_223, %dma_wait3A_235] : memref<320000x128xf32, #tpu.memory_space<hbm>> -> memref<80x128xf32, #tpu.memory_space<hbm>>
      tpu.wait_dma2 semaphore(%arg10 : memref<!tpu.dma_semaphore, #tpu.memory_space<semaphore_mem>>) src(%dma_wait3A_236 : memref<80x128xf32, #tpu.memory_space<hbm>>) dst(%dma_wait3A_234 : memref<80x128xf32, #tpu.memory_space<vmem>>)
      %gt3A_237 = arith.constant 0 : i32
      %gt3A_238 = arith.cmpi sgt, %scan3A_156, %gt3A_237 : i32
      %convert_element_type3A_239 = arith.extui %gt3A_238 : i1 to i32
      %cond3A_240 = arith.constant 0 : i32
      %cond3A_241 = arith.cmpi ne, %convert_element_type3A_239, %cond3A_240 : i32
      scf.if %cond3A_241 {
        %sub3A_477 = arith.constant 2 : i32
        %sub3A_478 = arith.subi %add3A_217, %sub3A_477 : i32
        %dma_wait3A_479 = arith.constant 4 : i32
        %dma_wait3A_480 = arith.constant 0 : i32
        %dma_wait3A_481 = arith.constant 0 : i32
        %dma_wait3A_482 = tpu.memref_slice %arg5[%dma_wait3A_479, %dma_wait3A_480, %dma_wait3A_481] : memref<5x80x128xf32, #tpu.memory_space<vmem>> -> memref<1x80x128xf32, #tpu.memory_space<vmem>>
        %dma_wait3A_483 = tpu.memref_squeeze %dma_wait3A_482 : memref<1x80x128xf32, #tpu.memory_space<vmem>> -> memref<80x128xf32, #tpu.memory_space<vmem>>
        %dma_wait3A_484 = arith.constant 0 : i32
        %dma_wait3A_485 = tpu.memref_slice %arg6[%sub3A_478, %dma_wait3A_484] : memref<50x80xi32, #tpu.memory_space<vmem>> -> memref<1x80xi32, #tpu.memory_space<vmem>>
        %dma_wait3A_486 = tpu.memref_squeeze %dma_wait3A_485 : memref<1x80xi32, #tpu.memory_space<vmem>> -> memref<80xi32, #tpu.memory_space<vmem>>
        %dma_wait3A_487 = arith.constant 0 : i32
        %dma_wait3A_488 = arith.constant 0 : i32
        %dma_wait3A_489 = tpu.memref_slice %arg8[%dma_wait3A_487, %dma_wait3A_488] : memref<2048x128xf32, #tpu.memory_space<vmem_shared>> -> memref<2048x128xf32, #tpu.memory_space<vmem_shared>>
        tpu.wait_indirect_dma semaphore(%arg18 : memref<!tpu.dma_semaphore, #tpu.memory_space<semaphore_mem>>) src(%dma_wait3A_483 : memref<80x128xf32, #tpu.memory_space<vmem>>) dst(%dma_wait3A_489 : memref<2048x128xf32, #tpu.memory_space<vmem_shared>>)
      } else {
      }
      %dma_start3A_242 = arith.constant 1 : i32
      %dma_start3A_243 = arith.constant 0 : i32
      %dma_start3A_244 = arith.constant 0 : i32
      %dma_start3A_245 = tpu.memref_slice %arg5[%dma_start3A_242, %dma_start3A_243, %dma_start3A_244] : memref<5x80x128xf32, #tpu.memory_space<vmem>> -> memref<1x80x128xf32, #tpu.memory_space<vmem>>
      %dma_start3A_246 = tpu.memref_squeeze %dma_start3A_245 : memref<1x80x128xf32, #tpu.memory_space<vmem>> -> memref<80x128xf32, #tpu.memory_space<vmem>>
      %dma_start3A_247 = arith.constant 0 : i32
      %dma_start3A_248 = tpu.memref_slice %arg6[%add3A_217, %dma_start3A_247] : memref<50x80xi32, #tpu.memory_space<vmem>> -> memref<1x80xi32, #tpu.memory_space<vmem>>
      %dma_start3A_249 = tpu.memref_squeeze %dma_start3A_248 : memref<1x80xi32, #tpu.memory_space<vmem>> -> memref<80xi32, #tpu.memory_space<vmem>>
      %dma_start3A_250 = arith.constant 0 : i32
      %dma_start3A_251 = arith.constant 0 : i32
      %dma_start3A_252 = tpu.memref_slice %arg8[%dma_start3A_250, %dma_start3A_251] : memref<2048x128xf32, #tpu.memory_space<vmem_shared>> -> memref<2048x128xf32, #tpu.memory_space<vmem_shared>>
      tpu.enqueue_indirect_dma source(%dma_start3A_246 : memref<80x128xf32, #tpu.memory_space<vmem>>) target(%dma_start3A_252 : memref<2048x128xf32, #tpu.memory_space<vmem_shared>>) offsets(%dma_start3A_249 : memref<80xi32, #tpu.memory_space<vmem>>) semaphore(%arg15 : memref<!tpu.dma_semaphore, #tpu.memory_space<semaphore_mem>>) {add = true}
      %add3A_253 = arith.constant 3 : i32
      %add3A_254 = arith.addi %add3A_217, %add3A_253 : i32
      %mul3A_255 = arith.constant 80 : i32
      %mul3A_256 = arith.muli %add3A_254, %mul3A_255 : i32
      %add3A_257 = arith.addi %mul3A_2, %mul3A_256 : i32
      %min3A_258 = arith.constant 319920 : i32
      %min3A_259 = arith.minsi %add3A_257, %min3A_258 : i32
      %multiple_of3A_260 = tpu.assume_multiple %min3A_259, 8 : i32
      %dma_start3A_261 = arith.constant 4 : i32
      %dma_start3A_262 = arith.constant 0 : i32
      %dma_start3A_263 = arith.constant 0 : i32
      %dma_start3A_264 = tpu.memref_slice %arg5[%dma_start3A_261, %dma_start3A_262, %dma_start3A_263] : memref<5x80x128xf32, #tpu.memory_space<vmem>> -> memref<1x80x128xf32, #tpu.memory_space<vmem>>
      %dma_start3A_265 = tpu.memref_squeeze %dma_start3A_264 : memref<1x80x128xf32, #tpu.memory_space<vmem>> -> memref<80x128xf32, #tpu.memory_space<vmem>>
      %dma_start3A_266 = arith.constant 0 : i32
      %dma_start3A_267 = tpu.memref_slice %arg2[%multiple_of3A_260, %dma_start3A_266] : memref<320000x128xf32, #tpu.memory_space<hbm>> -> memref<80x128xf32, #tpu.memory_space<hbm>>
      %dma_start3A_268 = arith.constant 0 : i32
      %dma_start3A_269 = arith.constant 0 : i32
      %dma_start3A_270 = tpu.memref_slice %arg5[%dma_start3A_261, %dma_start3A_268, %dma_start3A_269] : memref<5x80x128xf32, #tpu.memory_space<vmem>> -> memref<1x80x128xf32, #tpu.memory_space<vmem>>
      %dma_start3A_271 = tpu.memref_squeeze %dma_start3A_270 : memref<1x80x128xf32, #tpu.memory_space<vmem>> -> memref<80x128xf32, #tpu.memory_space<vmem>>
      %dma_start3A_272 = arith.constant 0 : i32
      %dma_start3A_273 = tpu.memref_slice %arg2[%multiple_of3A_260, %dma_start3A_272] : memref<320000x128xf32, #tpu.memory_space<hbm>> -> memref<80x128xf32, #tpu.memory_space<hbm>>
      tpu.enqueue_dma source(%dma_start3A_273 : memref<80x128xf32, #tpu.memory_space<hbm>>) target(%dma_start3A_271 : memref<80x128xf32, #tpu.memory_space<vmem>>) target_semaphore(%arg13 : memref<!tpu.dma_semaphore, #tpu.memory_space<semaphore_mem>>)
      %mul3A_274 = arith.constant 5 : i32
      %mul3A_275 = arith.muli %scan3A_156, %mul3A_274 : i32
      %add3A_276 = arith.constant 2 : i32
      %add3A_277 = arith.addi %mul3A_275, %add3A_276 : i32
      %mul3A_278 = arith.constant 80 : i32
      %mul3A_279 = arith.muli %add3A_277, %mul3A_278 : i32
      %add3A_280 = arith.addi %mul3A_2, %mul3A_279 : i32
      %min3A_281 = arith.constant 319920 : i32
      %min3A_282 = arith.minsi %add3A_280, %min3A_281 : i32
      %multiple_of3A_283 = tpu.assume_multiple %min3A_282, 8 : i32
      %dma_wait3A_284 = arith.constant 2 : i32
      %dma_wait3A_285 = arith.constant 0 : i32
      %dma_wait3A_286 = arith.constant 0 : i32
      %dma_wait3A_287 = tpu.memref_slice %arg5[%dma_wait3A_284, %dma_wait3A_285, %dma_wait3A_286] : memref<5x80x128xf32, #tpu.memory_space<vmem>> -> memref<1x80x128xf32, #tpu.memory_space<vmem>>
      %dma_wait3A_288 = tpu.memref_squeeze %dma_wait3A_287 : memref<1x80x128xf32, #tpu.memory_space<vmem>> -> memref<80x128xf32, #tpu.memory_space<vmem>>
      %dma_wait3A_289 = arith.constant 0 : i32
      %dma_wait3A_290 = tpu.memref_slice %arg2[%multiple_of3A_283, %dma_wait3A_289] : memref<320000x128xf32, #tpu.memory_space<hbm>> -> memref<80x128xf32, #tpu.memory_space<hbm>>
      %dma_wait3A_291 = arith.constant 0 : i32
      %dma_wait3A_292 = arith.constant 0 : i32
      %dma_wait3A_293 = tpu.memref_slice %arg5[%dma_wait3A_284, %dma_wait3A_291, %dma_wait3A_292] : memref<5x80x128xf32, #tpu.memory_space<vmem>> -> memref<1x80x128xf32, #tpu.memory_space<vmem>>
      %dma_wait3A_294 = tpu.memref_squeeze %dma_wait3A_293 : memref<1x80x128xf32, #tpu.memory_space<vmem>> -> memref<80x128xf32, #tpu.memory_space<vmem>>
      %dma_wait3A_295 = arith.constant 0 : i32
      %dma_wait3A_296 = tpu.memref_slice %arg2[%multiple_of3A_283, %dma_wait3A_295] : memref<320000x128xf32, #tpu.memory_space<hbm>> -> memref<80x128xf32, #tpu.memory_space<hbm>>
      tpu.wait_dma2 semaphore(%arg11 : memref<!tpu.dma_semaphore, #tpu.memory_space<semaphore_mem>>) src(%dma_wait3A_296 : memref<80x128xf32, #tpu.memory_space<hbm>>) dst(%dma_wait3A_294 : memref<80x128xf32, #tpu.memory_space<vmem>>)
      %sub3A = arith.constant 2 : i32
      %sub3A_297 = arith.subi %add3A_277, %sub3A : i32
      %dma_wait3A_298 = arith.constant 0 : i32
      %dma_wait3A_299 = arith.constant 0 : i32
      %dma_wait3A_300 = arith.constant 0 : i32
      %dma_wait3A_301 = tpu.memref_slice %arg5[%dma_wait3A_298, %dma_wait3A_299, %dma_wait3A_300] : memref<5x80x128xf32, #tpu.memory_space<vmem>> -> memref<1x80x128xf32, #tpu.memory_space<vmem>>
      %dma_wait3A_302 = tpu.memref_squeeze %dma_wait3A_301 : memref<1x80x128xf32, #tpu.memory_space<vmem>> -> memref<80x128xf32, #tpu.memory_space<vmem>>
      %dma_wait3A_303 = arith.constant 0 : i32
      %dma_wait3A_304 = tpu.memref_slice %arg6[%sub3A_297, %dma_wait3A_303] : memref<50x80xi32, #tpu.memory_space<vmem>> -> memref<1x80xi32, #tpu.memory_space<vmem>>
      %dma_wait3A_305 = tpu.memref_squeeze %dma_wait3A_304 : memref<1x80xi32, #tpu.memory_space<vmem>> -> memref<80xi32, #tpu.memory_space<vmem>>
      %dma_wait3A_306 = arith.constant 0 : i32
      %dma_wait3A_307 = arith.constant 0 : i32
      %dma_wait3A_308 = tpu.memref_slice %arg8[%dma_wait3A_306, %dma_wait3A_307] : memref<2048x128xf32, #tpu.memory_space<vmem_shared>> -> memref<2048x128xf32, #tpu.memory_space<vmem_shared>>
      tpu.wait_indirect_dma semaphore(%arg14 : memref<!tpu.dma_semaphore, #tpu.memory_space<semaphore_mem>>) src(%dma_wait3A_302 : memref<80x128xf32, #tpu.memory_space<vmem>>) dst(%dma_wait3A_308 : memref<2048x128xf32, #tpu.memory_space<vmem_shared>>)
      %dma_start3A_309 = arith.constant 2 : i32
      %dma_start3A_310 = arith.constant 0 : i32
      %dma_start3A_311 = arith.constant 0 : i32
      %dma_start3A_312 = tpu.memref_slice %arg5[%dma_start3A_309, %dma_start3A_310, %dma_start3A_311] : memref<5x80x128xf32, #tpu.memory_space<vmem>> -> memref<1x80x128xf32, #tpu.memory_space<vmem>>
      %dma_start3A_313 = tpu.memref_squeeze %dma_start3A_312 : memref<1x80x128xf32, #tpu.memory_space<vmem>> -> memref<80x128xf32, #tpu.memory_space<vmem>>
      %dma_start3A_314 = arith.constant 0 : i32
      %dma_start3A_315 = tpu.memref_slice %arg6[%add3A_277, %dma_start3A_314] : memref<50x80xi32, #tpu.memory_space<vmem>> -> memref<1x80xi32, #tpu.memory_space<vmem>>
      %dma_start3A_316 = tpu.memref_squeeze %dma_start3A_315 : memref<1x80xi32, #tpu.memory_space<vmem>> -> memref<80xi32, #tpu.memory_space<vmem>>
      %dma_start3A_317 = arith.constant 0 : i32
      %dma_start3A_318 = arith.constant 0 : i32
      %dma_start3A_319 = tpu.memref_slice %arg8[%dma_start3A_317, %dma_start3A_318] : memref<2048x128xf32, #tpu.memory_space<vmem_shared>> -> memref<2048x128xf32, #tpu.memory_space<vmem_shared>>
      tpu.enqueue_indirect_dma source(%dma_start3A_313 : memref<80x128xf32, #tpu.memory_space<vmem>>) target(%dma_start3A_319 : memref<2048x128xf32, #tpu.memory_space<vmem_shared>>) offsets(%dma_start3A_316 : memref<80xi32, #tpu.memory_space<vmem>>) semaphore(%arg16 : memref<!tpu.dma_semaphore, #tpu.memory_space<semaphore_mem>>) {add = true}
      %add3A_320 = arith.constant 3 : i32
      %add3A_321 = arith.addi %add3A_277, %add3A_320 : i32
      %mul3A_322 = arith.constant 80 : i32
      %mul3A_323 = arith.muli %add3A_321, %mul3A_322 : i32
      %add3A_324 = arith.addi %mul3A_2, %mul3A_323 : i32
      %min3A_325 = arith.constant 319920 : i32
      %min3A_326 = arith.minsi %add3A_324, %min3A_325 : i32
      %multiple_of3A_327 = tpu.assume_multiple %min3A_326, 8 : i32
      %dma_start3A_328 = arith.constant 0 : i32
      %dma_start3A_329 = arith.constant 0 : i32
      %dma_start3A_330 = arith.constant 0 : i32
      %dma_start3A_331 = tpu.memref_slice %arg5[%dma_start3A_328, %dma_start3A_329, %dma_start3A_330] : memref<5x80x128xf32, #tpu.memory_space<vmem>> -> memref<1x80x128xf32, #tpu.memory_space<vmem>>
      %dma_start3A_332 = tpu.memref_squeeze %dma_start3A_331 : memref<1x80x128xf32, #tpu.memory_space<vmem>> -> memref<80x128xf32, #tpu.memory_space<vmem>>
      %dma_start3A_333 = arith.constant 0 : i32
      %dma_start3A_334 = tpu.memref_slice %arg2[%multiple_of3A_327, %dma_start3A_333] : memref<320000x128xf32, #tpu.memory_space<hbm>> -> memref<80x128xf32, #tpu.memory_space<hbm>>
      %dma_start3A_335 = arith.constant 0 : i32
      %dma_start3A_336 = arith.constant 0 : i32
      %dma_start3A_337 = tpu.memref_slice %arg5[%dma_start3A_328, %dma_start3A_335, %dma_start3A_336] : memref<5x80x128xf32, #tpu.memory_space<vmem>> -> memref<1x80x128xf32, #tpu.memory_space<vmem>>
      %dma_start3A_338 = tpu.memref_squeeze %dma_start3A_337 : memref<1x80x128xf32, #tpu.memory_space<vmem>> -> memref<80x128xf32, #tpu.memory_space<vmem>>
      %dma_start3A_339 = arith.constant 0 : i32
      %dma_start3A_340 = tpu.memref_slice %arg2[%multiple_of3A_327, %dma_start3A_339] : memref<320000x128xf32, #tpu.memory_space<hbm>> -> memref<80x128xf32, #tpu.memory_space<hbm>>
      tpu.enqueue_dma source(%dma_start3A_340 : memref<80x128xf32, #tpu.memory_space<hbm>>) target(%dma_start3A_338 : memref<80x128xf32, #tpu.memory_space<vmem>>) target_semaphore(%arg9 : memref<!tpu.dma_semaphore, #tpu.memory_space<semaphore_mem>>)
      %mul3A_341 = arith.constant 5 : i32
      %mul3A_342 = arith.muli %scan3A_156, %mul3A_341 : i32
      %add3A_343 = arith.constant 3 : i32
      %add3A_344 = arith.addi %mul3A_342, %add3A_343 : i32
      %mul3A_345 = arith.constant 80 : i32
      %mul3A_346 = arith.muli %add3A_344, %mul3A_345 : i32
      %add3A_347 = arith.addi %mul3A_2, %mul3A_346 : i32
      %min3A_348 = arith.constant 319920 : i32
      %min3A_349 = arith.minsi %add3A_347, %min3A_348 : i32
      %multiple_of3A_350 = tpu.assume_multiple %min3A_349, 8 : i32
      %dma_wait3A_351 = arith.constant 3 : i32
      %dma_wait3A_352 = arith.constant 0 : i32
      %dma_wait3A_353 = arith.constant 0 : i32
      %dma_wait3A_354 = tpu.memref_slice %arg5[%dma_wait3A_351, %dma_wait3A_352, %dma_wait3A_353] : memref<5x80x128xf32, #tpu.memory_space<vmem>> -> memref<1x80x128xf32, #tpu.memory_space<vmem>>
      %dma_wait3A_355 = tpu.memref_squeeze %dma_wait3A_354 : memref<1x80x128xf32, #tpu.memory_space<vmem>> -> memref<80x128xf32, #tpu.memory_space<vmem>>
      %dma_wait3A_356 = arith.constant 0 : i32
      %dma_wait3A_357 = tpu.memref_slice %arg2[%multiple_of3A_350, %dma_wait3A_356] : memref<320000x128xf32, #tpu.memory_space<hbm>> -> memref<80x128xf32, #tpu.memory_space<hbm>>
      %dma_wait3A_358 = arith.constant 0 : i32
      %dma_wait3A_359 = arith.constant 0 : i32
      %dma_wait3A_360 = tpu.memref_slice %arg5[%dma_wait3A_351, %dma_wait3A_358, %dma_wait3A_359] : memref<5x80x128xf32, #tpu.memory_space<vmem>> -> memref<1x80x128xf32, #tpu.memory_space<vmem>>
      %dma_wait3A_361 = tpu.memref_squeeze %dma_wait3A_360 : memref<1x80x128xf32, #tpu.memory_space<vmem>> -> memref<80x128xf32, #tpu.memory_space<vmem>>
      %dma_wait3A_362 = arith.constant 0 : i32
      %dma_wait3A_363 = tpu.memref_slice %arg2[%multiple_of3A_350, %dma_wait3A_362] : memref<320000x128xf32, #tpu.memory_space<hbm>> -> memref<80x128xf32, #tpu.memory_space<hbm>>
      tpu.wait_dma2 semaphore(%arg12 : memref<!tpu.dma_semaphore, #tpu.memory_space<semaphore_mem>>) src(%dma_wait3A_363 : memref<80x128xf32, #tpu.memory_space<hbm>>) dst(%dma_wait3A_361 : memref<80x128xf32, #tpu.memory_space<vmem>>)
      %sub3A_364 = arith.constant 2 : i32
      %sub3A_365 = arith.subi %add3A_344, %sub3A_364 : i32
      %dma_wait3A_366 = arith.constant 1 : i32
      %dma_wait3A_367 = arith.constant 0 : i32
      %dma_wait3A_368 = arith.constant 0 : i32
      %dma_wait3A_369 = tpu.memref_slice %arg5[%dma_wait3A_366, %dma_wait3A_367, %dma_wait3A_368] : memref<5x80x128xf32, #tpu.memory_space<vmem>> -> memref<1x80x128xf32, #tpu.memory_space<vmem>>
      %dma_wait3A_370 = tpu.memref_squeeze %dma_wait3A_369 : memref<1x80x128xf32, #tpu.memory_space<vmem>> -> memref<80x128xf32, #tpu.memory_space<vmem>>
      %dma_wait3A_371 = arith.constant 0 : i32
      %dma_wait3A_372 = tpu.memref_slice %arg6[%sub3A_365, %dma_wait3A_371] : memref<50x80xi32, #tpu.memory_space<vmem>> -> memref<1x80xi32, #tpu.memory_space<vmem>>
      %dma_wait3A_373 = tpu.memref_squeeze %dma_wait3A_372 : memref<1x80xi32, #tpu.memory_space<vmem>> -> memref<80xi32, #tpu.memory_space<vmem>>
      %dma_wait3A_374 = arith.constant 0 : i32
      %dma_wait3A_375 = arith.constant 0 : i32
      %dma_wait3A_376 = tpu.memref_slice %arg8[%dma_wait3A_374, %dma_wait3A_375] : memref<2048x128xf32, #tpu.memory_space<vmem_shared>> -> memref<2048x128xf32, #tpu.memory_space<vmem_shared>>
      tpu.wait_indirect_dma semaphore(%arg15 : memref<!tpu.dma_semaphore, #tpu.memory_space<semaphore_mem>>) src(%dma_wait3A_370 : memref<80x128xf32, #tpu.memory_space<vmem>>) dst(%dma_wait3A_376 : memref<2048x128xf32, #tpu.memory_space<vmem_shared>>)
      %dma_start3A_377 = arith.constant 3 : i32
      %dma_start3A_378 = arith.constant 0 : i32
      %dma_start3A_379 = arith.constant 0 : i32
      %dma_start3A_380 = tpu.memref_slice %arg5[%dma_start3A_377, %dma_start3A_378, %dma_start3A_379] : memref<5x80x128xf32, #tpu.memory_space<vmem>> -> memref<1x80x128xf32, #tpu.memory_space<vmem>>
      %dma_start3A_381 = tpu.memref_squeeze %dma_start3A_380 : memref<1x80x128xf32, #tpu.memory_space<vmem>> -> memref<80x128xf32, #tpu.memory_space<vmem>>
      %dma_start3A_382 = arith.constant 0 : i32
      %dma_start3A_383 = tpu.memref_slice %arg6[%add3A_344, %dma_start3A_382] : memref<50x80xi32, #tpu.memory_space<vmem>> -> memref<1x80xi32, #tpu.memory_space<vmem>>
      %dma_start3A_384 = tpu.memref_squeeze %dma_start3A_383 : memref<1x80xi32, #tpu.memory_space<vmem>> -> memref<80xi32, #tpu.memory_space<vmem>>
      %dma_start3A_385 = arith.constant 0 : i32
      %dma_start3A_386 = arith.constant 0 : i32
      %dma_start3A_387 = tpu.memref_slice %arg8[%dma_start3A_385, %dma_start3A_386] : memref<2048x128xf32, #tpu.memory_space<vmem_shared>> -> memref<2048x128xf32, #tpu.memory_space<vmem_shared>>
      tpu.enqueue_indirect_dma source(%dma_start3A_381 : memref<80x128xf32, #tpu.memory_space<vmem>>) target(%dma_start3A_387 : memref<2048x128xf32, #tpu.memory_space<vmem_shared>>) offsets(%dma_start3A_384 : memref<80xi32, #tpu.memory_space<vmem>>) semaphore(%arg17 : memref<!tpu.dma_semaphore, #tpu.memory_space<semaphore_mem>>) {add = true}
      %add3A_388 = arith.constant 3 : i32
      %add3A_389 = arith.addi %add3A_344, %add3A_388 : i32
      %mul3A_390 = arith.constant 80 : i32
      %mul3A_391 = arith.muli %add3A_389, %mul3A_390 : i32
      %add3A_392 = arith.addi %mul3A_2, %mul3A_391 : i32
      %min3A_393 = arith.constant 319920 : i32
      %min3A_394 = arith.minsi %add3A_392, %min3A_393 : i32
      %multiple_of3A_395 = tpu.assume_multiple %min3A_394, 8 : i32
      %dma_start3A_396 = arith.constant 1 : i32
      %dma_start3A_397 = arith.constant 0 : i32
      %dma_start3A_398 = arith.constant 0 : i32
      %dma_start3A_399 = tpu.memref_slice %arg5[%dma_start3A_396, %dma_start3A_397, %dma_start3A_398] : memref<5x80x128xf32, #tpu.memory_space<vmem>> -> memref<1x80x128xf32, #tpu.memory_space<vmem>>
      %dma_start3A_400 = tpu.memref_squeeze %dma_start3A_399 : memref<1x80x128xf32, #tpu.memory_space<vmem>> -> memref<80x128xf32, #tpu.memory_space<vmem>>
      %dma_start3A_401 = arith.constant 0 : i32
      %dma_start3A_402 = tpu.memref_slice %arg2[%multiple_of3A_395, %dma_start3A_401] : memref<320000x128xf32, #tpu.memory_space<hbm>> -> memref<80x128xf32, #tpu.memory_space<hbm>>
      %dma_start3A_403 = arith.constant 0 : i32
      %dma_start3A_404 = arith.constant 0 : i32
      %dma_start3A_405 = tpu.memref_slice %arg5[%dma_start3A_396, %dma_start3A_403, %dma_start3A_404] : memref<5x80x128xf32, #tpu.memory_space<vmem>> -> memref<1x80x128xf32, #tpu.memory_space<vmem>>
      %dma_start3A_406 = tpu.memref_squeeze %dma_start3A_405 : memref<1x80x128xf32, #tpu.memory_space<vmem>> -> memref<80x128xf32, #tpu.memory_space<vmem>>
      %dma_start3A_407 = arith.constant 0 : i32
      %dma_start3A_408 = tpu.memref_slice %arg2[%multiple_of3A_395, %dma_start3A_407] : memref<320000x128xf32, #tpu.memory_space<hbm>> -> memref<80x128xf32, #tpu.memory_space<hbm>>
      tpu.enqueue_dma source(%dma_start3A_408 : memref<80x128xf32, #tpu.memory_space<hbm>>) target(%dma_start3A_406 : memref<80x128xf32, #tpu.memory_space<vmem>>) target_semaphore(%arg10 : memref<!tpu.dma_semaphore, #tpu.memory_space<semaphore_mem>>)
      %mul3A_409 = arith.constant 5 : i32
      %mul3A_410 = arith.muli %scan3A_156, %mul3A_409 : i32
      %add3A_411 = arith.constant 4 : i32
      %add3A_412 = arith.addi %mul3A_410, %add3A_411 : i32
      %mul3A_413 = arith.constant 80 : i32
      %mul3A_414 = arith.muli %add3A_412, %mul3A_413 : i32
      %add3A_415 = arith.addi %mul3A_2, %mul3A_414 : i32
      %min3A_416 = arith.constant 319920 : i32
      %min3A_417 = arith.minsi %add3A_415, %min3A_416 : i32
      %multiple_of3A_418 = tpu.assume_multiple %min3A_417, 8 : i32
      %dma_wait3A_419 = arith.constant 4 : i32
      %dma_wait3A_420 = arith.constant 0 : i32
      %dma_wait3A_421 = arith.constant 0 : i32
      %dma_wait3A_422 = tpu.memref_slice %arg5[%dma_wait3A_419, %dma_wait3A_420, %dma_wait3A_421] : memref<5x80x128xf32, #tpu.memory_space<vmem>> -> memref<1x80x128xf32, #tpu.memory_space<vmem>>
      %dma_wait3A_423 = tpu.memref_squeeze %dma_wait3A_422 : memref<1x80x128xf32, #tpu.memory_space<vmem>> -> memref<80x128xf32, #tpu.memory_space<vmem>>
      %dma_wait3A_424 = arith.constant 0 : i32
      %dma_wait3A_425 = tpu.memref_slice %arg2[%multiple_of3A_418, %dma_wait3A_424] : memref<320000x128xf32, #tpu.memory_space<hbm>> -> memref<80x128xf32, #tpu.memory_space<hbm>>
      %dma_wait3A_426 = arith.constant 0 : i32
      %dma_wait3A_427 = arith.constant 0 : i32
      %dma_wait3A_428 = tpu.memref_slice %arg5[%dma_wait3A_419, %dma_wait3A_426, %dma_wait3A_427] : memref<5x80x128xf32, #tpu.memory_space<vmem>> -> memref<1x80x128xf32, #tpu.memory_space<vmem>>
      %dma_wait3A_429 = tpu.memref_squeeze %dma_wait3A_428 : memref<1x80x128xf32, #tpu.memory_space<vmem>> -> memref<80x128xf32, #tpu.memory_space<vmem>>
      %dma_wait3A_430 = arith.constant 0 : i32
      %dma_wait3A_431 = tpu.memref_slice %arg2[%multiple_of3A_418, %dma_wait3A_430] : memref<320000x128xf32, #tpu.memory_space<hbm>> -> memref<80x128xf32, #tpu.memory_space<hbm>>
      tpu.wait_dma2 semaphore(%arg13 : memref<!tpu.dma_semaphore, #tpu.memory_space<semaphore_mem>>) src(%dma_wait3A_431 : memref<80x128xf32, #tpu.memory_space<hbm>>) dst(%dma_wait3A_429 : memref<80x128xf32, #tpu.memory_space<vmem>>)
      %sub3A_432 = arith.constant 2 : i32
      %sub3A_433 = arith.subi %add3A_412, %sub3A_432 : i32
      %dma_wait3A_434 = arith.constant 2 : i32
      %dma_wait3A_435 = arith.constant 0 : i32
      %dma_wait3A_436 = arith.constant 0 : i32
      %dma_wait3A_437 = tpu.memref_slice %arg5[%dma_wait3A_434, %dma_wait3A_435, %dma_wait3A_436] : memref<5x80x128xf32, #tpu.memory_space<vmem>> -> memref<1x80x128xf32, #tpu.memory_space<vmem>>
      %dma_wait3A_438 = tpu.memref_squeeze %dma_wait3A_437 : memref<1x80x128xf32, #tpu.memory_space<vmem>> -> memref<80x128xf32, #tpu.memory_space<vmem>>
      %dma_wait3A_439 = arith.constant 0 : i32
      %dma_wait3A_440 = tpu.memref_slice %arg6[%sub3A_433, %dma_wait3A_439] : memref<50x80xi32, #tpu.memory_space<vmem>> -> memref<1x80xi32, #tpu.memory_space<vmem>>
      %dma_wait3A_441 = tpu.memref_squeeze %dma_wait3A_440 : memref<1x80xi32, #tpu.memory_space<vmem>> -> memref<80xi32, #tpu.memory_space<vmem>>
      %dma_wait3A_442 = arith.constant 0 : i32
      %dma_wait3A_443 = arith.constant 0 : i32
      %dma_wait3A_444 = tpu.memref_slice %arg8[%dma_wait3A_442, %dma_wait3A_443] : memref<2048x128xf32, #tpu.memory_space<vmem_shared>> -> memref<2048x128xf32, #tpu.memory_space<vmem_shared>>
      tpu.wait_indirect_dma semaphore(%arg16 : memref<!tpu.dma_semaphore, #tpu.memory_space<semaphore_mem>>) src(%dma_wait3A_438 : memref<80x128xf32, #tpu.memory_space<vmem>>) dst(%dma_wait3A_444 : memref<2048x128xf32, #tpu.memory_space<vmem_shared>>)
      %dma_start3A_445 = arith.constant 4 : i32
      %dma_start3A_446 = arith.constant 0 : i32
      %dma_start3A_447 = arith.constant 0 : i32
      %dma_start3A_448 = tpu.memref_slice %arg5[%dma_start3A_445, %dma_start3A_446, %dma_start3A_447] : memref<5x80x128xf32, #tpu.memory_space<vmem>> -> memref<1x80x128xf32, #tpu.memory_space<vmem>>
      %dma_start3A_449 = tpu.memref_squeeze %dma_start3A_448 : memref<1x80x128xf32, #tpu.memory_space<vmem>> -> memref<80x128xf32, #tpu.memory_space<vmem>>
      %dma_start3A_450 = arith.constant 0 : i32
      %dma_start3A_451 = tpu.memref_slice %arg6[%add3A_412, %dma_start3A_450] : memref<50x80xi32, #tpu.memory_space<vmem>> -> memref<1x80xi32, #tpu.memory_space<vmem>>
      %dma_start3A_452 = tpu.memref_squeeze %dma_start3A_451 : memref<1x80xi32, #tpu.memory_space<vmem>> -> memref<80xi32, #tpu.memory_space<vmem>>
      %dma_start3A_453 = arith.constant 0 : i32
      %dma_start3A_454 = arith.constant 0 : i32
      %dma_start3A_455 = tpu.memref_slice %arg8[%dma_start3A_453, %dma_start3A_454] : memref<2048x128xf32, #tpu.memory_space<vmem_shared>> -> memref<2048x128xf32, #tpu.memory_space<vmem_shared>>
      tpu.enqueue_indirect_dma source(%dma_start3A_449 : memref<80x128xf32, #tpu.memory_space<vmem>>) target(%dma_start3A_455 : memref<2048x128xf32, #tpu.memory_space<vmem_shared>>) offsets(%dma_start3A_452 : memref<80xi32, #tpu.memory_space<vmem>>) semaphore(%arg18 : memref<!tpu.dma_semaphore, #tpu.memory_space<semaphore_mem>>) {add = true}
      %add3A_456 = arith.constant 3 : i32
      %add3A_457 = arith.addi %add3A_412, %add3A_456 : i32
      %mul3A_458 = arith.constant 80 : i32
      %mul3A_459 = arith.muli %add3A_457, %mul3A_458 : i32
      %add3A_460 = arith.addi %mul3A_2, %mul3A_459 : i32
      %min3A_461 = arith.constant 319920 : i32
      %min3A_462 = arith.minsi %add3A_460, %min3A_461 : i32
      %multiple_of3A_463 = tpu.assume_multiple %min3A_462, 8 : i32
      %dma_start3A_464 = arith.constant 2 : i32
      %dma_start3A_465 = arith.constant 0 : i32
      %dma_start3A_466 = arith.constant 0 : i32
      %dma_start3A_467 = tpu.memref_slice %arg5[%dma_start3A_464, %dma_start3A_465, %dma_start3A_466] : memref<5x80x128xf32, #tpu.memory_space<vmem>> -> memref<1x80x128xf32, #tpu.memory_space<vmem>>
      %dma_start3A_468 = tpu.memref_squeeze %dma_start3A_467 : memref<1x80x128xf32, #tpu.memory_space<vmem>> -> memref<80x128xf32, #tpu.memory_space<vmem>>
      %dma_start3A_469 = arith.constant 0 : i32
      %dma_start3A_470 = tpu.memref_slice %arg2[%multiple_of3A_463, %dma_start3A_469] : memref<320000x128xf32, #tpu.memory_space<hbm>> -> memref<80x128xf32, #tpu.memory_space<hbm>>
      %dma_start3A_471 = arith.constant 0 : i32
      %dma_start3A_472 = arith.constant 0 : i32
      %dma_start3A_473 = tpu.memref_slice %arg5[%dma_start3A_464, %dma_start3A_471, %dma_start3A_472] : memref<5x80x128xf32, #tpu.memory_space<vmem>> -> memref<1x80x128xf32, #tpu.memory_space<vmem>>
      %dma_start3A_474 = tpu.memref_squeeze %dma_start3A_473 : memref<1x80x128xf32, #tpu.memory_space<vmem>> -> memref<80x128xf32, #tpu.memory_space<vmem>>
      %dma_start3A_475 = arith.constant 0 : i32
      %dma_start3A_476 = tpu.memref_slice %arg2[%multiple_of3A_463, %dma_start3A_475] : memref<320000x128xf32, #tpu.memory_space<hbm>> -> memref<80x128xf32, #tpu.memory_space<hbm>>
      tpu.enqueue_dma source(%dma_start3A_476 : memref<80x128xf32, #tpu.memory_space<hbm>>) target(%dma_start3A_474 : memref<80x128xf32, #tpu.memory_space<vmem>>) target_semaphore(%arg11 : memref<!tpu.dma_semaphore, #tpu.memory_space<semaphore_mem>>)
    }
    %scan3A_73 = arith.constant 10 : i32
    %add3A_74 = arith.constant 4000 : i32
    %add3A_75 = arith.addi %mul3A_2, %add3A_74 : i32
    %min3A_76 = arith.constant 319920 : i32
    %min3A_77 = arith.minsi %add3A_75, %min3A_76 : i32
    %multiple_of3A_78 = tpu.assume_multiple %min3A_77, 8 : i32
    %dma_wait3A = arith.constant 0 : i32
    %dma_wait3A_79 = arith.constant 0 : i32
    %dma_wait3A_80 = arith.constant 0 : i32
    %dma_wait3A_81 = tpu.memref_slice %arg5[%dma_wait3A, %dma_wait3A_79, %dma_wait3A_80] : memref<5x80x128xf32, #tpu.memory_space<vmem>> -> memref<1x80x128xf32, #tpu.memory_space<vmem>>
    %dma_wait3A_82 = tpu.memref_squeeze %dma_wait3A_81 : memref<1x80x128xf32, #tpu.memory_space<vmem>> -> memref<80x128xf32, #tpu.memory_space<vmem>>
    %dma_wait3A_83 = arith.constant 0 : i32
    %dma_wait3A_84 = tpu.memref_slice %arg2[%multiple_of3A_78, %dma_wait3A_83] : memref<320000x128xf32, #tpu.memory_space<hbm>> -> memref<80x128xf32, #tpu.memory_space<hbm>>
    %dma_wait3A_85 = arith.constant 0 : i32
    %dma_wait3A_86 = arith.constant 0 : i32
    %dma_wait3A_87 = tpu.memref_slice %arg5[%dma_wait3A, %dma_wait3A_85, %dma_wait3A_86] : memref<5x80x128xf32, #tpu.memory_space<vmem>> -> memref<1x80x128xf32, #tpu.memory_space<vmem>>
    %dma_wait3A_88 = tpu.memref_squeeze %dma_wait3A_87 : memref<1x80x128xf32, #tpu.memory_space<vmem>> -> memref<80x128xf32, #tpu.memory_space<vmem>>
    %dma_wait3A_89 = arith.constant 0 : i32
    %dma_wait3A_90 = tpu.memref_slice %arg2[%multiple_of3A_78, %dma_wait3A_89] : memref<320000x128xf32, #tpu.memory_space<hbm>> -> memref<80x128xf32, #tpu.memory_space<hbm>>
    tpu.wait_dma2 semaphore(%arg9 : memref<!tpu.dma_semaphore, #tpu.memory_space<semaphore_mem>>) src(%dma_wait3A_90 : memref<80x128xf32, #tpu.memory_space<hbm>>) dst(%dma_wait3A_88 : memref<80x128xf32, #tpu.memory_space<vmem>>)
    %add3A_91 = arith.constant 4080 : i32
    %add3A_92 = arith.addi %mul3A_2, %add3A_91 : i32
    %min3A_93 = arith.constant 319920 : i32
    %min3A_94 = arith.minsi %add3A_92, %min3A_93 : i32
    %multiple_of3A_95 = tpu.assume_multiple %min3A_94, 8 : i32
    %dma_wait3A_96 = arith.constant 1 : i32
    %dma_wait3A_97 = arith.constant 0 : i32
    %dma_wait3A_98 = arith.constant 0 : i32
    %dma_wait3A_99 = tpu.memref_slice %arg5[%dma_wait3A_96, %dma_wait3A_97, %dma_wait3A_98] : memref<5x80x128xf32, #tpu.memory_space<vmem>> -> memref<1x80x128xf32, #tpu.memory_space<vmem>>
    %dma_wait3A_100 = tpu.memref_squeeze %dma_wait3A_99 : memref<1x80x128xf32, #tpu.memory_space<vmem>> -> memref<80x128xf32, #tpu.memory_space<vmem>>
    %dma_wait3A_101 = arith.constant 0 : i32
    %dma_wait3A_102 = tpu.memref_slice %arg2[%multiple_of3A_95, %dma_wait3A_101] : memref<320000x128xf32, #tpu.memory_space<hbm>> -> memref<80x128xf32, #tpu.memory_space<hbm>>
    %dma_wait3A_103 = arith.constant 0 : i32
    %dma_wait3A_104 = arith.constant 0 : i32
    %dma_wait3A_105 = tpu.memref_slice %arg5[%dma_wait3A_96, %dma_wait3A_103, %dma_wait3A_104] : memref<5x80x128xf32, #tpu.memory_space<vmem>> -> memref<1x80x128xf32, #tpu.memory_space<vmem>>
    %dma_wait3A_106 = tpu.memref_squeeze %dma_wait3A_105 : memref<1x80x128xf32, #tpu.memory_space<vmem>> -> memref<80x128xf32, #tpu.memory_space<vmem>>
    %dma_wait3A_107 = arith.constant 0 : i32
    %dma_wait3A_108 = tpu.memref_slice %arg2[%multiple_of3A_95, %dma_wait3A_107] : memref<320000x128xf32, #tpu.memory_space<hbm>> -> memref<80x128xf32, #tpu.memory_space<hbm>>
    tpu.wait_dma2 semaphore(%arg10 : memref<!tpu.dma_semaphore, #tpu.memory_space<semaphore_mem>>) src(%dma_wait3A_108 : memref<80x128xf32, #tpu.memory_space<hbm>>) dst(%dma_wait3A_106 : memref<80x128xf32, #tpu.memory_space<vmem>>)
    %add3A_109 = arith.constant 4160 : i32
    %add3A_110 = arith.addi %mul3A_2, %add3A_109 : i32
    %min3A_111 = arith.constant 319920 : i32
    %min3A_112 = arith.minsi %add3A_110, %min3A_111 : i32
    %multiple_of3A_113 = tpu.assume_multiple %min3A_112, 8 : i32
    %dma_wait3A_114 = arith.constant 2 : i32
    %dma_wait3A_115 = arith.constant 0 : i32
    %dma_wait3A_116 = arith.constant 0 : i32
    %dma_wait3A_117 = tpu.memref_slice %arg5[%dma_wait3A_114, %dma_wait3A_115, %dma_wait3A_116] : memref<5x80x128xf32, #tpu.memory_space<vmem>> -> memref<1x80x128xf32, #tpu.memory_space<vmem>>
    %dma_wait3A_118 = tpu.memref_squeeze %dma_wait3A_117 : memref<1x80x128xf32, #tpu.memory_space<vmem>> -> memref<80x128xf32, #tpu.memory_space<vmem>>
    %dma_wait3A_119 = arith.constant 0 : i32
    %dma_wait3A_120 = tpu.memref_slice %arg2[%multiple_of3A_113, %dma_wait3A_119] : memref<320000x128xf32, #tpu.memory_space<hbm>> -> memref<80x128xf32, #tpu.memory_space<hbm>>
    %dma_wait3A_121 = arith.constant 0 : i32
    %dma_wait3A_122 = arith.constant 0 : i32
    %dma_wait3A_123 = tpu.memref_slice %arg5[%dma_wait3A_114, %dma_wait3A_121, %dma_wait3A_122] : memref<5x80x128xf32, #tpu.memory_space<vmem>> -> memref<1x80x128xf32, #tpu.memory_space<vmem>>
    %dma_wait3A_124 = tpu.memref_squeeze %dma_wait3A_123 : memref<1x80x128xf32, #tpu.memory_space<vmem>> -> memref<80x128xf32, #tpu.memory_space<vmem>>
    %dma_wait3A_125 = arith.constant 0 : i32
    %dma_wait3A_126 = tpu.memref_slice %arg2[%multiple_of3A_113, %dma_wait3A_125] : memref<320000x128xf32, #tpu.memory_space<hbm>> -> memref<80x128xf32, #tpu.memory_space<hbm>>
    tpu.wait_dma2 semaphore(%arg11 : memref<!tpu.dma_semaphore, #tpu.memory_space<semaphore_mem>>) src(%dma_wait3A_126 : memref<80x128xf32, #tpu.memory_space<hbm>>) dst(%dma_wait3A_124 : memref<80x128xf32, #tpu.memory_space<vmem>>)
    %dma_wait3A_127 = arith.constant 3 : i32
    %dma_wait3A_128 = arith.constant 48 : i32
    %dma_wait3A_129 = arith.constant 0 : i32
    %dma_wait3A_130 = arith.constant 0 : i32
    %dma_wait3A_131 = tpu.memref_slice %arg5[%dma_wait3A_127, %dma_wait3A_129, %dma_wait3A_130] : memref<5x80x128xf32, #tpu.memory_space<vmem>> -> memref<1x80x128xf32, #tpu.memory_space<vmem>>
    %dma_wait3A_132 = tpu.memref_squeeze %dma_wait3A_131 : memref<1x80x128xf32, #tpu.memory_space<vmem>> -> memref<80x128xf32, #tpu.memory_space<vmem>>
    %dma_wait3A_133 = arith.constant 0 : i32
    %dma_wait3A_134 = tpu.memref_slice %arg6[%dma_wait3A_128, %dma_wait3A_133] : memref<50x80xi32, #tpu.memory_space<vmem>> -> memref<1x80xi32, #tpu.memory_space<vmem>>
    %dma_wait3A_135 = tpu.memref_squeeze %dma_wait3A_134 : memref<1x80xi32, #tpu.memory_space<vmem>> -> memref<80xi32, #tpu.memory_space<vmem>>
    %dma_wait3A_136 = arith.constant 0 : i32
    %dma_wait3A_137 = arith.constant 0 : i32
    %dma_wait3A_138 = tpu.memref_slice %arg8[%dma_wait3A_136, %dma_wait3A_137] : memref<2048x128xf32, #tpu.memory_space<vmem_shared>> -> memref<2048x128xf32, #tpu.memory_space<vmem_shared>>
    tpu.wait_indirect_dma semaphore(%arg17 : memref<!tpu.dma_semaphore, #tpu.memory_space<semaphore_mem>>) src(%dma_wait3A_132 : memref<80x128xf32, #tpu.memory_space<vmem>>) dst(%dma_wait3A_138 : memref<2048x128xf32, #tpu.memory_space<vmem_shared>>)
    %dma_wait3A_139 = arith.constant 4 : i32
    %dma_wait3A_140 = arith.constant 49 : i32
    %dma_wait3A_141 = arith.constant 0 : i32
    %dma_wait3A_142 = arith.constant 0 : i32
    %dma_wait3A_143 = tpu.memref_slice %arg5[%dma_wait3A_139, %dma_wait3A_141, %dma_wait3A_142] : memref<5x80x128xf32, #tpu.memory_space<vmem>> -> memref<1x80x128xf32, #tpu.memory_space<vmem>>
    %dma_wait3A_144 = tpu.memref_squeeze %dma_wait3A_143 : memref<1x80x128xf32, #tpu.memory_space<vmem>> -> memref<80x128xf32, #tpu.memory_space<vmem>>
    %dma_wait3A_145 = arith.constant 0 : i32
    %dma_wait3A_146 = tpu.memref_slice %arg6[%dma_wait3A_140, %dma_wait3A_145] : memref<50x80xi32, #tpu.memory_space<vmem>> -> memref<1x80xi32, #tpu.memory_space<vmem>>
    %dma_wait3A_147 = tpu.memref_squeeze %dma_wait3A_146 : memref<1x80xi32, #tpu.memory_space<vmem>> -> memref<80xi32, #tpu.memory_space<vmem>>
    %dma_wait3A_148 = arith.constant 0 : i32
    %dma_wait3A_149 = arith.constant 0 : i32
    %dma_wait3A_150 = tpu.memref_slice %arg8[%dma_wait3A_148, %dma_wait3A_149] : memref<2048x128xf32, #tpu.memory_space<vmem_shared>> -> memref<2048x128xf32, #tpu.memory_space<vmem_shared>>
    tpu.wait_indirect_dma semaphore(%arg18 : memref<!tpu.dma_semaphore, #tpu.memory_space<semaphore_mem>>) src(%dma_wait3A_144 : memref<80x128xf32, #tpu.memory_space<vmem>>) dst(%dma_wait3A_150 : memref<2048x128xf32, #tpu.memory_space<vmem_shared>>)
    %barrier3A_151 = arith.constant 0 : index
    tpu.barrier barrier_id(%barrier3A_151)
    %mul3A_152 = arith.constant 128 : i32
    %mul3A_153 = arith.muli %arg1, %mul3A_152 : i32
    %mul3A_154 = arith.constant 128 : i32
    %mul3A_155 = arith.muli %arg1, %mul3A_154 : i32
    "tpu.region"() ({
      %run_scoped3A = tpu.sem_alloc : memref<!tpu.dma_semaphore, #tpu.memory_space<semaphore_mem>>
      %dma_start3A_156 = arith.constant 0 : i32
      %dma_start3A_157 = arith.constant 0 : i32
      %dma_start3A_158 = tpu.memref_slice %arg4[%arg0, %dma_start3A_156, %dma_start3A_157] : memref<2x2048x128xf32, #tpu.memory_space<hbm>> -> memref<1x2048x128xf32, #tpu.memory_space<hbm>>
      %dma_start3A_159 = tpu.memref_squeeze %dma_start3A_158 : memref<1x2048x128xf32, #tpu.memory_space<hbm>> -> memref<2048x128xf32, #tpu.memory_space<hbm>>
      %dma_start3A_160 = arith.constant 0 : i32
      %dma_start3A_161 = tpu.memref_slice %dma_start3A_159[%mul3A_155, %dma_start3A_160] : memref<2048x128xf32, #tpu.memory_space<hbm>> -> memref<128x128xf32, #tpu.memory_space<hbm>>
      %dma_start3A_162 = arith.constant 0 : i32
      %dma_start3A_163 = tpu.memref_slice %arg8[%mul3A_153, %dma_start3A_162] : memref<2048x128xf32, #tpu.memory_space<vmem_shared>> -> memref<128x128xf32, #tpu.memory_space<vmem_shared>>
      tpu.enqueue_dma source(%dma_start3A_163 : memref<128x128xf32, #tpu.memory_space<vmem_shared>>) target(%dma_start3A_161 : memref<128x128xf32, #tpu.memory_space<hbm>>) target_semaphore(%run_scoped3A : memref<!tpu.dma_semaphore, #tpu.memory_space<semaphore_mem>>)
      %dma_wait3A_164 = arith.constant 0 : i32
      %dma_wait3A_165 = arith.constant 0 : i32
      %dma_wait3A_166 = tpu.memref_slice %arg4[%arg0, %dma_wait3A_164, %dma_wait3A_165] : memref<2x2048x128xf32, #tpu.memory_space<hbm>> -> memref<1x2048x128xf32, #tpu.memory_space<hbm>>
      %dma_wait3A_167 = tpu.memref_squeeze %dma_wait3A_166 : memref<1x2048x128xf32, #tpu.memory_space<hbm>> -> memref<2048x128xf32, #tpu.memory_space<hbm>>
      %dma_wait3A_168 = arith.constant 0 : i32
      %dma_wait3A_169 = tpu.memref_slice %dma_wait3A_167[%mul3A_155, %dma_wait3A_168] : memref<2048x128xf32, #tpu.memory_space<hbm>> -> memref<128x128xf32, #tpu.memory_space<hbm>>
      %dma_wait3A_170 = arith.constant 0 : i32
      %dma_wait3A_171 = tpu.memref_slice %arg8[%mul3A_153, %dma_wait3A_170] : memref<2048x128xf32, #tpu.memory_space<vmem_shared>> -> memref<128x128xf32, #tpu.memory_space<vmem_shared>>
      tpu.wait_dma2 semaphore(%run_scoped3A : memref<!tpu.dma_semaphore, #tpu.memory_space<semaphore_mem>>) src(%dma_wait3A_171 : memref<128x128xf32, #tpu.memory_space<vmem_shared>>) dst(%dma_wait3A_169 : memref<128x128xf32, #tpu.memory_space<hbm>>)
      tpu.yield
    }) : () -> ()
    return
  }
}

module attributes {stable_mosaic.version = 14 : i64} {
  func.func @_tc_body(%arg0: i32, %arg1: memref<1x1x6400xi32, #tpu.memory_space<vmem>>, %arg2: memref<6400x128xf32, #tpu.memory_space<vmem>>, %arg3: memref<2048x128xf32, #tpu.memory_space<vmem>>) attributes {dimension_semantics = [#tpu.dimension_semantics<arbitrary>], iteration_bounds = array<i64: 30>, scalar_prefetch = 0 : i64, scratch_operands = 0 : i64, tpu.core_type = #tpu.core_type<tc>, window_params = [{transform_indices = @transform_0, window_bounds = array<i64: 1, 1, 6400>}, {transform_indices = @transform_1, window_bounds = array<i64: 6400, 128>}, {pipeline_mode = #tpu.pipeline_mode<synchronous>, transform_indices = @transform_2, window_bounds = array<i64: 2048, 128>}]} {
    %eq3A = arith.constant 0 : i32
    %eq3A_0 = arith.cmpi eq, %arg0, %eq3A : i32
    %convert_element_type3A = arith.extui %eq3A_0 : i1 to i32
    %cond3A = arith.constant 0 : i32
    %cond3A_1 = arith.cmpi ne, %convert_element_type3A, %cond3A : i32
    scf.if %cond3A_1 {
      %broadcast_in_dim3A = arith.constant 0.000000e+00 : f32
      %broadcast_in_dim3A_17 = vector.broadcast %broadcast_in_dim3A : f32 to vector<2048x128xf32>
      %swap3A = arith.constant 0 : index
      %swap3A_18 = arith.constant 0 : index
      %swap3A_19 = vector.load %arg3[%swap3A, %swap3A_18] : memref<2048x128xf32, #tpu.memory_space<vmem>>, vector<2048x128xf32>
      tpu.vector_store %arg3[%swap3A, %swap3A_18], %broadcast_in_dim3A_17 {strides = array<i32>} : memref<2048x128xf32, #tpu.memory_space<vmem>>, vector<2048x128xf32>,
    } else {
    }
    %get3A = arith.constant 0 : index
    %get3A_2 = arith.constant 0 : index
    %get3A_3 = arith.constant 0 : index
    %get3A_4 = vector.load %arg1[%get3A, %get3A_2, %get3A_3] : memref<1x1x6400xi32, #tpu.memory_space<vmem>>, vector<1x1x6400xi32>
    %get3A_5 = vector.shape_cast %get3A_4 : vector<1x1x6400xi32> to vector<1x6400xi32>
    %get3A_6 = arith.constant 0 : index
    %get3A_7 = arith.constant 0 : index
    %get3A_8 = vector.load %arg2[%get3A_6, %get3A_7] : memref<6400x128xf32, #tpu.memory_space<vmem>>, vector<6400x128xf32>
    %reduce_min3A = vector.shape_cast %get3A_5 : vector<1x6400xi32> to vector<1x1x6400xi32>
    %reduce_min3A_9 = arith.constant dense<2147483647> : vector<1xi32>
    %reduce_min3A_10 = vector.multi_reduction <minsi>, %reduce_min3A, %reduce_min3A_9 [1, 2] : vector<1x1x6400xi32> to vector<1xi32>
    %reduce_min3A_11 = vector.shape_cast %reduce_min3A_10 : vector<1xi32> to vector<1x1x1xi32>
    %reduce_min3A_12 = vector.extract %reduce_min3A_11[0, 0, 0] : i32 from vector<1x1x1xi32>
    %reduce_max3A = vector.shape_cast %get3A_5 : vector<1x6400xi32> to vector<1x1x6400xi32>
    %reduce_max3A_13 = arith.constant dense<-2147483648> : vector<1xi32>
    %reduce_max3A_14 = vector.multi_reduction <maxsi>, %reduce_max3A, %reduce_max3A_13 [1, 2] : vector<1x1x6400xi32> to vector<1xi32>
    %reduce_max3A_15 = vector.shape_cast %reduce_max3A_14 : vector<1xi32> to vector<1x1x1xi32>
    %reduce_max3A_16 = vector.extract %reduce_max3A_15[0, 0, 0] : i32 from vector<1x1x1xi32>
    %iota3A = tpu.iota {dimensions = array<i32: 0>} : vector<48x6400xi32>
    %while3A = scf.while (%while3A_17 = %reduce_min3A_12) : (i32) -> i32 {
      %le3A = arith.cmpi sle, %while3A_17, %reduce_max3A_16 : i32
      scf.condition(%le3A) %while3A_17 : i32
    } do {
    ^bb0(%while3A_17: i32):
      %min3A = arith.constant 2000 : i32
      %min3A_18 = arith.minsi %while3A_17, %min3A : i32
      %broadcast_in_dim3A = arith.constant 0 : i32
      %broadcast_in_dim3A_19 = vector.broadcast %broadcast_in_dim3A : i32 to vector<48x6400xi32>
      %add3A = vector.broadcast %get3A_5 : vector<1x6400xi32> to vector<48x6400xi32>
      %add3A_20 = arith.addi %add3A, %broadcast_in_dim3A_19 : vector<48x6400xi32>
      %add3A_21 = vector.broadcast %min3A_18 : i32 to vector<48x6400xi32>
      %add3A_22 = arith.addi %add3A_21, %iota3A : vector<48x6400xi32>
      %eq3A_23 = arith.cmpi eq, %add3A_20, %add3A_22 : vector<48x6400xi32>
      %convert_element_type3A_24 = arith.extui %eq3A_23 : vector<48x6400xi1> to vector<48x6400xi32>
      %convert_element_type3A_25 = arith.sitofp %convert_element_type3A_24 : vector<48x6400xi32> to vector<48x6400xf32>
      %dot_general3A = arith.constant dense<0.000000e+00> : vector<48x128xf32>
      %dot_general3A_26 = tpu.matmul %convert_element_type3A_25, %get3A_8, %dot_general3A {dimension_numbers = #tpu.dot_dimension_numbers<[1], [0], [0], [1], [0, 0, 1, 1], [], []>, transpose_lhs_hint = false} : vector<48x6400xf32>, vector<6400x128xf32>, vector<48x128xf32> -> vector<48x128xf32>
      %get3A_27 = arith.index_cast %min3A_18 : i32 to index
      %get3A_28 = arith.constant 0 : index
      %get3A_29 = vector.load %arg3[%get3A_27, %get3A_28] : memref<2048x128xf32, #tpu.memory_space<vmem>>, vector<48x128xf32>
      %add3A_30 = arith.addf %get3A_29, %dot_general3A_26 : vector<48x128xf32>
      %swap3A = arith.index_cast %min3A_18 : i32 to index
      %swap3A_31 = arith.constant 0 : index
      %swap3A_32 = vector.load %arg3[%swap3A, %swap3A_31] : memref<2048x128xf32, #tpu.memory_space<vmem>>, vector<48x128xf32>
      tpu.vector_store %arg3[%swap3A, %swap3A_31], %add3A_30 {strides = array<i32>} : memref<2048x128xf32, #tpu.memory_space<vmem>>, vector<48x128xf32>,
      %add3A_33 = arith.constant 48 : i32
      %add3A_34 = arith.addi %min3A_18, %add3A_33 : i32
      %ge3A = vector.broadcast %add3A_34 : i32 to vector<1x6400xi32>
      %ge3A_35 = arith.cmpi sge, %get3A_5, %ge3A : vector<1x6400xi32>
      %jit3A = arith.constant 2096 : i32
      %broadcast_in_dim3A_36 = vector.broadcast %jit3A : i32 to vector<1x6400xi32>
      %select_n3A = arith.select %ge3A_35, %get3A_5, %broadcast_in_dim3A_36 : vector<1x6400xi1>, vector<1x6400xi32>
      %reduce_min3A_37 = vector.shape_cast %select_n3A : vector<1x6400xi32> to vector<1x1x6400xi32>
      %reduce_min3A_38 = arith.constant dense<2147483647> : vector<1xi32>
      %reduce_min3A_39 = vector.multi_reduction <minsi>, %reduce_min3A_37, %reduce_min3A_38 [1, 2] : vector<1x1x6400xi32> to vector<1xi32>
      %reduce_min3A_40 = vector.shape_cast %reduce_min3A_39 : vector<1xi32> to vector<1x1x1xi32>
      %reduce_min3A_41 = vector.extract %reduce_min3A_40[0, 0, 0] : i32 from vector<1x1x1xi32>
      scf.yield %reduce_min3A_41 : i32
    }
    return
  }
  func.func @transform_0(%arg0: i32) -> (i32, i32, i32) {
    %c0_i32 = arith.constant 0 : i32
    %c0_i32_0 = arith.constant 0 : i32
    %c0_i32_1 = arith.constant 0 : i32
    return %arg0, %c0_i32, %c0_i32_0 : i32, i32, i32
  }
  func.func @transform_1(%arg0: i32) -> (i32, i32) {
    %add3A = arith.constant 20 : i32
    %add3A_0 = arith.addi %add3A, %arg0 : i32
    %c0_i32 = arith.constant 0 : i32
    %c0_i32_1 = arith.constant 0 : i32
    return %add3A_0, %c0_i32 : i32, i32
  }
  func.func @transform_2(%arg0: i32) -> (i32, i32) {
    %c0_i32 = arith.constant 0 : i32
    %c0_i32_0 = arith.constant 0 : i32
    %c0_i32_1 = arith.constant 0 : i32
    return %c0_i32, %c0_i32_0 : i32, i32
  }
}

module attributes {stable_mosaic.version = 14 : i64} {
  func.func @_combine_body(%arg0: i32, %arg1: memref<2x256x128xf32, #tpu.memory_space<vmem>>, %arg2: memref<256x128xf32, #tpu.memory_space<vmem>>, %arg3: memref<256x128xf32, #tpu.memory_space<vmem>>) attributes {dimension_semantics = [#tpu.dimension_semantics<arbitrary>], iteration_bounds = array<i64: 8>, scalar_prefetch = 0 : i64, scratch_operands = 0 : i64, tpu.core_type = #tpu.core_type<tc>, window_params = [{transform_indices = @transform_0, window_bounds = array<i64: 2, 256, 128>}, {transform_indices = @transform_1, window_bounds = array<i64: 256, 128>}, {transform_indices = @transform_2, window_bounds = array<i64: 256, 128>}]} {
    %get3A = arith.constant 0 : index
    %get3A_0 = arith.constant 0 : index
    %get3A_1 = arith.constant 0 : index
    %get3A_2 = vector.load %arg1[%get3A, %get3A_0, %get3A_1] : memref<2x256x128xf32, #tpu.memory_space<vmem>>, vector<1x256x128xf32>
    %get3A_3 = vector.shape_cast %get3A_2 : vector<1x256x128xf32> to vector<256x128xf32>
    %get3A_4 = arith.constant 1 : index
    %get3A_5 = arith.constant 0 : index
    %get3A_6 = arith.constant 0 : index
    %get3A_7 = vector.load %arg1[%get3A_4, %get3A_5, %get3A_6] : memref<2x256x128xf32, #tpu.memory_space<vmem>>, vector<1x256x128xf32>
    %get3A_8 = vector.shape_cast %get3A_7 : vector<1x256x128xf32> to vector<256x128xf32>
    %add3A = arith.addf %get3A_3, %get3A_8 : vector<256x128xf32>
    %get3A_9 = arith.constant 0 : index
    %get3A_10 = arith.constant 0 : index
    %get3A_11 = vector.load %arg2[%get3A_9, %get3A_10] : memref<256x128xf32, #tpu.memory_space<vmem>>, vector<256x128xf32>
    %add3A_12 = arith.addf %add3A, %get3A_11 : vector<256x128xf32>
    %swap3A = arith.constant 0 : index
    %swap3A_13 = arith.constant 0 : index
    %swap3A_14 = vector.load %arg3[%swap3A, %swap3A_13] : memref<256x128xf32, #tpu.memory_space<vmem>>, vector<256x128xf32>
    tpu.vector_store %arg3[%swap3A, %swap3A_13], %add3A_12 {strides = array<i32>} : memref<256x128xf32, #tpu.memory_space<vmem>>, vector<256x128xf32>,
    return
  }
  func.func @transform_0(%arg0: i32) -> (i32, i32, i32) {
    %c0_i32 = arith.constant 0 : i32
    %c0_i32_0 = arith.constant 0 : i32
    %c0_i32_1 = arith.constant 0 : i32
    return %c0_i32, %arg0, %c0_i32_0 : i32, i32, i32
  }
  func.func @transform_1(%arg0: i32) -> (i32, i32) {
    %c0_i32 = arith.constant 0 : i32
    %c0_i32_0 = arith.constant 0 : i32
    return %arg0, %c0_i32 : i32, i32
  }
  func.func @transform_2(%arg0: i32) -> (i32, i32) {
    %c0_i32 = arith.constant 0 : i32
    %c0_i32_0 = arith.constant 0 : i32
    return %arg0, %c0_i32 : i32, i32
  }
}

</mosaic_0001>

<sc_bundles>
// kernel: kernel.5.cloned.1.call-start
scs
__scs_entry_jumppad:
0x0: {  	(pc) =	sbr.rel $0x88, $3  }
0x1: {  	(tag) =	ssettag $0x0;
	lr =	simm.s32 $0x1  }
0x2: {  	[smem:$0x3F9F] =	sst lr;
	_ =	strace $0xD0000000  }
0x3: {  	_ = 	snop  }
0x4: {  	_ = 	snop  }
0x5: {  	_ = 	snop  }
0x6: {  	_ = 	snop  }
0x7: {  	_ = 	snop  }
__scs_overlays_trampoline_lowered:
0x8: {  	[smem:$0x3FAE] =	sst s0  }
0x9: {  	[smem:$0x3FAF] =	sst s1  }
0xa: {  	[smem:$0x3FB0] =	sst s2  }
0xb: {  	[smem:$0x3FB1] =	sst s3  }
0xc: {  	[smem:$0x3FB2] =	sst s4  }
0xd: {  	[smem:$0x3FB3] =	sst s5  }
0xe: {  	[smem:$0x3FB4] =	sst s6  }
0xf: {  	[smem:$0x3FB5] =	sst s7  }
0x10: {  	[smem:$0x3FB6] =	sst s8  }
0x11: {  	[smem:$0x3FB7] =	sst s9;
	s0 =	simm.s32 @!p0 $0x0  }
0x12: {  	s1 =	sld [smem:$0x3F9D];
	s0 =	simm.s32 @p0 $0x1  }
0x13: {  	[smem:$0x3FB8] =	sst s0;
	s0 =	simm.s32 @!p1 $0x0  }
0x14: {  	s2 =	sld [smem:$0x3F9C];
	s0 =	simm.s32 @p1 $0x1  }
0x15: {  	[smem:$0x3FB9] =	sst s0;
	s0 =	simm.s32 @!p2 $0x0  }
0x16: {  	s3 =	sld [smem:$0x3FDB];
	s0 =	simm.s32 @p2 $0x1  }
0x17: {  	s4 =	simm.s32 $0x1BF5;
	[smem:$0x3FBB] =	sst s0  }
0x18: {  	s0 =	sld [smem:$0x3F9E];
	_ =	swait.ge [sflag:s4], $0x0  }
0x19: {  	s7 =	sld [smem:$0x3F9F]  }
0x1a: {  	s8 =	sadd.s32 $0xFFFFE003, lr  }
0x1b: {  	s9 =	sadd.s32 $0xFFFFFEF7, lr;
	s5 =	simm.s32 $0xFFFFFFFF;
	p2 =	slt.u32 s8, $0xFFFFF086  }
0x1c: {  	p1 =	slt.u32 s9, $0xF7A;
	s5 =	simm.s32 @!p2 $0x0  }
0x1d: {  	s5 =	simm.s32 @p1 $0x1;
	p0 =	seq.s32 s7, s2  }
0x1e: {  	s7 =	smul.u32 @!p0 $0xF7A, s2;
	p2 =	seq.s32 @!p0 s5, $0x0  }
0x1f: {  	s9 =	smul.u32 $0xF7A, s1;
	s8 =	simm.s32 @!p0 $0x1BF5;
	p2 =	por !p2, p0  }
0x20: {  	[sflag:s8] =	ssyncset.s32 @!p0 $0xFFFFF086;
	s6 =	sadd.s32 @!p0 s3, s7;
	s7 =	simm.s32 @!p0 $0x108  }
0x21: {  	s3 =	sadd.s32 s3, s9;
	s6 =	sadd.s32 @!p0 $0x88, s6;
	s7 =	simm.s32 @p2 $0x1082  }
0x22: {  	[simem:s7], [sflag:s8] =	dma.local @!p0 [hbm:s6], $0xF7A  }
0x23: {  	s9 =	sor.u32 $0xD0000000, s2;
	s6 =	simm.s32 $0x108;
	_ =	swait.ge @!p0 [sflag:s8], $0x0  }
0x24: {  	s3 =	sadd.s32 $0x88, s3;
	s6 =	simm.s32 @!p1 $0x1082;
	[sflag:s4] =	ssyncset.s32 $0xFFFFF086  }
0x25: {  	[simem:s6], [sflag:s4] =	dma.local [hbm:s3], $0xF7A  }
0x26: {  	[smem:$0x3F9F] =	sst s1;
	(tag) =	ssettag s2;
	_ =	strace s9  }
0x27: {  	s1 =	sld [smem:$0x3FAF]  }
0x28: {  	s2 =	sld [smem:$0x3FB0]  }
0x29: {  	s4 =	sld [smem:$0x3FB2]  }
0x2a: {  	p0 =	seq.s32 s5, $0x0;
	s5 =	sld [smem:$0x3FB3]  }
0x2b: {  	s6 =	sld [smem:$0x3FB4]  }
0x2c: {  	s7 =	sld [smem:$0x3FB5]  }
0x2d: {  	s3 =	simm.s32 $0x108;
	s8 =	sld [smem:$0x3FB6]  }
0x2e: {  	s3 =	simm.s32 @!p0 $0x1082;
	s9 =	sld [smem:$0x3FB7]  }
0x2f: {  	lr =	sadd.s32 s0, s3;
	s0 =	sld [smem:$0x3FAE]  }
0x30: {  	s3 =	sld [smem:$0x3FB1]  }
0x31: {  	[smem:$0x3FBA] =	sst s10  }
0x32: {  	s10 =	sld [smem:$0x3FB8];
	_ =	sdelay $0x3  }
0x33: {  	p0 =	seq.s32 s10, $0x1;
	s10 =	sld [smem:$0x3FBA];
	_ =	sdelay $0x3  }
0x34: {  	[smem:$0x3FBA] =	sst s10  }
0x35: {  	s10 =	sld [smem:$0x3FB9];
	_ =	sdelay $0x3  }
0x36: {  	p1 =	seq.s32 s10, $0x1;
	s10 =	sld [smem:$0x3FBA];
	_ =	sdelay $0x3  }
0x37: {  	[smem:$0x3FBA] =	sst s10  }
0x38: {  	s10 =	sld [smem:$0x3FBB]  }
0x39: {  	_ = 	snop;
	(pc) =	sbr.ind lr, $3  }
0x3a: {  	_ = 	snop  }
0x3b: {  	_ = 	snop  }
0x3c: {  	p2 =	seq.s32 s10, $0x1;
	s10 =	sld [smem:$0x3FBA]  }
0x3d: {  	_ =	shalt  }
0x3e: {  	_ =	shalt  }
0x3f: {  	_ =	shalt  }
0x40: {  	_ =	shalt  }
0x41: {  	_ =	shalt  }
0x42: {  	_ =	shalt  }
0x43: {  	_ =	shalt  }
0x44: {  	_ =	shalt  }
0x45: {  	_ =	shalt  }
0x46: {  	_ =	shalt  }
0x47: {  	_ =	shalt  }
0x48: {  	_ =	shalt  }
0x49: {  	_ =	shalt  }
0x4a: {  	_ =	shalt  }
0x4b: {  	_ =	shalt  }
0x4c: {  	_ =	shalt  }
0x4d: {  	_ =	shalt  }
0x4e: {  	_ =	shalt  }
0x4f: {  	_ =	shalt  }
0x50: {  	_ =	shalt  }
0x51: {  	_ =	shalt  }
0x52: {  	_ =	shalt  }
0x53: {  	_ =	shalt  }
0x54: {  	_ =	shalt  }
0x55: {  	_ =	shalt  }
0x56: {  	_ =	shalt  }
0x57: {  	_ =	shalt  }
0x58: {  	_ =	shalt  }
0x59: {  	_ =	shalt  }
0x5a: {  	_ =	shalt  }
0x5b: {  	_ =	shalt  }
0x5c: {  	_ =	shalt  }
0x5d: {  	_ =	shalt  }
0x5e: {  	_ =	shalt  }
0x5f: {  	_ =	shalt  }
0x60: {  	_ =	shalt  }
0x61: {  	_ =	shalt  }
0x62: {  	_ =	shalt  }
0x63: {  	_ =	shalt  }
0x64: {  	_ =	shalt  }
0x65: {  	_ =	shalt  }
0x66: {  	_ =	shalt  }
0x67: {  	_ =	shalt  }
0x68: {  	_ =	shalt  }
0x69: {  	_ =	shalt  }
0x6a: {  	_ =	shalt  }
0x6b: {  	_ =	shalt  }
0x6c: {  	_ =	shalt  }
0x6d: {  	_ =	shalt  }
0x6e: {  	_ =	shalt  }
0x6f: {  	_ =	shalt  }
0x70: {  	_ =	shalt  }
0x71: {  	_ =	shalt  }
0x72: {  	_ =	shalt  }
0x73: {  	_ =	shalt  }
0x74: {  	_ =	shalt  }
0x75: {  	_ =	shalt  }
0x76: {  	_ =	shalt  }
0x77: {  	_ =	shalt  }
0x78: {  	_ =	shalt  }
0x79: {  	_ =	shalt  }
0x7a: {  	_ =	shalt  }
0x7b: {  	_ =	shalt  }
0x7c: {  	_ =	shalt  }
0x7d: {  	_ =	shalt  }
0x7e: {  	_ =	shalt  }
0x7f: {  	_ =	shalt  }
0x80: {  	_ =	shalt  }
0x81: {  	_ =	shalt  }
0x82: {  	_ =	shalt  }
0x83: {  	_ =	shalt  }
0x84: {  	_ =	shalt  }
0x85: {  	_ =	shalt  }
0x86: {  	_ =	shalt  }
0x87: {  	_ =	shalt  }
.Lfunc_end0:
.L_simem_size_0:
called_computation_lowered:
.L_overlay_start_0:
0x88: {  	s2 =	sld [smem:$0x3FD9]  }
0x89: {  	s3 =	sld [smem:$0x3FFE];
	_ =	sdelay $0x1  }
0x8a: {  	s1 =	srdreg.scid  }
0x8b: {  	s0 =	sand.u32 $0x1, s1  }
0x8c: {  	s17 =	sshll.u32 s0, $0xA;
	s2 =	sadd.s32 s3, s2  }
0x8d: {  	s2 =	sadd.s32 s2, s17  }
0x8e: {  	[smem:$0x3FC6] =	sst s2  }
0x8f: {  	_ = 	snop  }
0x90: {  	s2 =	sld [smem:$0x3FC9]  }
0x91: {  	s18 =	sld [smem:$0x3FD0];
	(tm) =	ssettm $0x1  }
0x92: {  	s4 =	sld [smem:$0x3FFB];
	_ =	sdelay $0x3  }
0x93: {  	_ =	strace s4  }
0x94: {  	s4 =	sld [smem:$0x3FFC];
	_ =	sdelay $0x3  }
0x95: {  	_ =	strace s4  }
0x96: {  	s4 =	sld [smem:$0x3FFD];
	_ =	sdelay $0x3  }
0x97: {  	_ =	strace s4  }
0x98: {  	_ =	strace $0x8FFFFFFF  }
0x99: {  	s19 =	sld [smem:$0x3FDB];
	_ =	sdelay $0x1  }
0x9a: {  	s5 =	simm.s32 $_scs_section_size  }
0x9b: {  	s6 =	simm.s32 $_size__tile_overlayer_lowered;
	s7 =	simm.s32 $_tile_overlayer_lowered  }
0x9c: {  	s22 =	simm.s32 $0x1BFF;
	s21 =	sshll.u32 s7, $0x1;
	s4 =	sadd.s32 s5, s19  }
0x9d: {  	s8 =	simm.s32 $0x0;
	s20 =	sshll.u32 s6, $0x1;
	s6 =	sadd.s32 s21, s4  }
0x9e: {  	[timem:s8], [sflag:s22] =	dma.local [hbm:s6], s20  }
0x9f: {  	_ =	swait.ge [sflag:s22], s20  }
0xa0: {  	s5 =	ssub.s32 $0x0, s20;
	[sflag:s22] =	ssyncset.done $0x0  }
0xa1: {  	[sflag:s22] =	ssyncadd.s32 s5;
	_ =	sdelay $0x1  }
0xa2: {  	s23 =	simm.s32 $0x1B8B  }
0xa3: {  	_ =	swait.ge [sflag:s23], $0x1  }
0xa4: {  	[sflag:s23] =	ssyncset.done $0x0  }
0xa5: {  	s25 =	simm.s32 $0x1B8E;
	s24 =	sld [smem:$0x3FFE];
	[sflag:s23] =	ssyncadd.s32 $0xFFFFFFFF  }
0xa6: {  	s26 =	simm.s32 $execute0_lowered;
	[smem:$0x3FD2] =	sst s25  }
0xa7: {  	s6 =	sshll.u32 s26, $0x1;
	_ =	strace $0x80000046;
	[dreg:$0x1] =	wrdreg $0xFFFFFFFF  }
0xa8: {  	s28 =	simm.s32 $_size_execute0_lowered;
	s4 =	sadd.s32 s4, s6;
	[dreg:$0x0] =	wrdreg $0x0  }
0xa9: {  	s6 =	sshll.u32 s28, $0x1;
	[dreg:$0x2] =	wrdreg s4  }
0xaa: {  	[dreg:$0x3] =	wrdreg s6  }
0xab: {  	[dreg:$0x4] =	wrdreg $0xC0  }
0xac: {  	_ =	task [dreg:s8], $0x5FFFF  }
0xad: {  	[dreg:$0x1] =	wrdreg $0xFFFFFFFF  }
0xae: {  	[dreg:$0x0] =	wrdreg $0x60  }
0xaf: {  	[dreg:$0x2] =	wrdreg s2  }
0xb0: {  	[dreg:$0x3] =	wrdreg s18  }
0xb1: {  	[dreg:$0x4] =	wrdreg s24  }
0xb2: {  	[dreg:$0x5] =	wrdreg $0x124000  }
0xb3: {  	[dreg:$0x6] =	wrdreg $0x9  }
0xb4: {  	_ =	task.clear_ibuf [dreg:s8], $0x7FFFF;
	_ =	strace $0x90000046  }
0xb5: {  	s29 =	simm.s32 $0x9;
	_ =	strace $0x80000048  }
0xb6: {  	_ =	swait.ge [sflag:s29], $0x1  }
0xb7: {  	[sflag:s29] =	ssyncadd.s32 $0xFFFFFFFF  }
0xb8: {  	_ =	strace $0x90000048  }
0xb9: {  	_ =	sfence  }
0xba: {  	s30 =	sld [smem:$0x0];
	_ =	sdelay $0x2  }
0xbb: {  	s31 =	sshll.u32 s1, $0xD;
	s1 =	sshrl.u32 s1, $0x2  }
0xbc: {  	s3 =	sand.u32 $0x4000, s31;
	s1 =	sadd.s32 s1, s30  }
0xbd: {  	s0 =	sor.u32 s3, s0;
	s1 =	sshll.u32 s1, $0x11  }
0xbe: {  	s0 =	sor.u32 s1, s0  }
0xbf: {  	s0 =	sadd.s32 $0x8F2B, s0  }
0xc0: {  	[sflag:s0] =	ssyncadd.remote.s32 $0x1  }
0xc1: {  	_ =	sfence.sel $0xFFFF  }
0xc2: {  	[dreg:$0x0] =	wrdreg $0xFFFFFFFF;
	(pc) =	sbr.abs _section_cstart, $3  }
0xc3: {  	[dreg:$0x1] =	wrdreg $0xFFFFFFFF  }
0xc4: {  	_ =	task.clear_ibuf [dreg:s8], $0x2FFFF;
	_ =	strace $0x9FFFFFFF  }
0xc5: {  	(tm) =	ssettm $0x7FFFFFFF  }
tec
execute0_lowered:
.L_overlay_start_1:
0x0: {  	(tag) =	ssettag $0x1  }
0x1: {  	s0 =	rddreg [dreg:$0x0]  }
0x2: {  	s5 =	rddreg [dreg:$0x1]  }
0x3: {  	s4 =	rddreg [dreg:$0x2]  }
0x4: {  	s1 =	rddreg [dreg:$0x3];
	s2 =	srdreg.scid  }
0x5: {  	s3 =	simm.s32 $0x0;
	s24 =	stileid.u32;
	s14 =	simm.s32 $0x5000  }
0x6: {  	s16 =	simm.s32 $0x1;
	s17 =	simm.s32 $0x50;
	s18 =	simm.s32 $0x7800  }
0x7: {  	s19 =	simm.s32 $0x2;
	s20 =	simm.s32 $0xA000;
	s21 =	simm.s32 $0x3  }
0x8: {  	s22 =	simm.s32 $0x6;
	s23 =	simm.s32 $0x4;
	s28 =	simm.s32 $0x8  }
0x9: {  	s29 =	simm.s32 $0x9;
	s30 =	simm.s32 $0xA;
	s31 =	simm.s32 $0x0  }
0xa: {  	s8 =	sand.u32 $0x1, s2;
	[smem:$0x7FF] =	sst s3;
	s25 =	sshll.u32 s24, $0xE  }
0xb: {  	s13 =	smul.u32 $0xFA00, s24;
	s15 =	sshll.u32 s24, $0xB;
	s6 =	sshll.u32 s8, $0x4  }
0xc: {  	_ =	strace $0x80000047;
	s9 =	sshll.u32 s8, $0xF;
	s10 =	ssub.s32 $0x2, s8  }
0xd: {  	s12 =	smul.u32 $0xFA000, s8;
	s8 =	sadd.s32 s25, s1;
	s6 =	sor.u32 s24, s6  }
0xe: {  	s9 =	sadd.s32 s9, s4;
	s11 =	sshrl.u32 s10, $0x1;
	s7 =	smul.u32 $0xFA00, s6  }
0xf: {  	s6 =	smul.u32 $0x380, s6;
	s10 =	ssub.s32 s10, s11;
	s26 =	sadd.s32 $0x800, s9  }
0x10: {  	s25 =	simm.s32 $0x7;
	s9 =	smax.u32 s10, $0x1;
	s24 =	sadd.s32 s15, s26  }
0x11: {  	s26 =	simm.s32 $0x5;
	s4 =	sadd.s32 s0, s7;
	s5 =	sadd.s32 s5, s6  }
0x12: {  	s0 =	sadd.s32 s12, s0;
	s12 =	simm.s32 $0xB;
	s6 =	sadd.s32 $0x500, s4  }
0x13: {  	v0 =	vimm.f32 $0.0e+00;
	s7 =	sadd.s32 $0xA00, s4;
	s10 =	sadd.s32 s13, s0;
	s13 =	simm.s32 $0x2800  }
.LBB2_1:
0x14: {  	s0 =	simm.s32 $0xC800  }
0x15: {  	[tilespmem:s0], [sflag:$0xB] =	stream.linear.gather [hbm4b:s5+s3], $0x1900, $0x38;
	[tilespmem:$0x16400] =	vst v63  }
0x16: {  	_ =	swait.ge [sflag:s12], $0x1900  }
0x17: {  	[sflag:s12] =	ssyncset.done $0x0  }
0x18: {  	[sflag:s12] =	ssyncadd.s32 $0xFFFFE700  }
0x19: {  	[tilespmem:s3], [sflag:$0x1] =	stream.linear.gather [hbm4b:s4+s3], $0x2800, $0x38;
	[tilespmem:$0x16400] =	vst v63  }
0x1a: {  	_ = 	snop  }
0x1b: {  	[tilespmem:s13], [sflag:$0x2] =	stream.linear.gather [hbm4b:s6+s3], $0x2800, $0x38;
	[tilespmem:$0x16400] =	vst v63  }
0x1c: {  	s11 =	simm.s32 $0x200;
	s0 =	simm.s32 $0x0  }
0x1d: {  	[tilespmem:s14], [sflag:$0x3] =	stream.linear.gather [hbm4b:s7+s3], $0x2800, $0x38;
	[tilespmem:$0x16400] =	vst v63  }
.LBB2_2:
0x1e: {  	p0 =	sne.s32 s11, $0xFE00;
	[tilespmem:s0+$0xE470] =	vst v0  }
0x1f: {  	[tilespmem:s0+$0xE400] =	vst v0  }
0x20: {  	[tilespmem:s0+$0xE410] =	vst v0  }
.Ltmp0:
0x21: {  	[tilespmem:s0+$0xE420] =	vst v0;
	(pc) =	sbr.rel @p0 .LBB2_2-.Ltmp0, $4  }
0x22: {  	[tilespmem:s0+$0xE430] =	vst v0  }
0x23: {  	[tilespmem:s0+$0xE440] =	vst v0  }
0x24: {  	[tilespmem:s0+$0xE450] =	vst v0  }
0x25: {  	[tilespmem:s0+$0xE460] =	vst v0;
	s0 =	sshra.s32 s11, $0x2;
	s11 =	sadd.s32 $0x200, s11  }
0x26: {  	[tilespmem:s0+$0xE470] =	vst v0  }
0x27: {  	[tilespmem:s0+$0xE400] =	vst v0  }
0x28: {  	[tilespmem:s0+$0xE410] =	vst v0  }
0x29: {  	[tilespmem:s0+$0xE420] =	vst v0  }
0x2a: {  	[tilespmem:s0+$0xE430] =	vst v0  }
0x2b: {  	[tilespmem:s0+$0xE440] =	vst v0  }
0x2c: {  	[tilespmem:s0+$0xE450] =	vst v0  }
0x2d: {  	[tilespmem:s0+$0xE460] =	vst v0;
	s11 =	simm.s32 $0xE400  }
0x2e: {  	[spmem:s8] =	stream.linear.scatter [tilespmem:s11], [sflag:$0xB], $0x4000, $0x38;
	[tilespmem:$0x16400] =	vst v63  }
0x2f: {  	_ =	swait.ge [sflag:s12], $0x4000  }
0x30: {  	[sflag:s12] =	ssyncset.done $0x0  }
0x31: {  	[sflag:s12] =	ssyncadd.s32 $0xFFFFC000  }
0x32: {  	[bflag:$0x0] =	sbarrier.arrive $0xFFFF  }
0x33: {  	_ =	swait.ge [sflag:s16], $0x2800  }
0x34: {  	p0 =	por $0x1, $0x1;
	[sflag:s16] =	ssyncset.done $0x0  }
0x35: {  	s0 =	simm.s32 @!p0 $0x9;
	[sflag:s16] =	ssyncadd.s32 $0xFFFFD800  }
0x36: {  	_ =	swait.ge @!p0 [sflag:s0], $0x2800  }
0x37: {  	[sflag:s0] =	ssyncset.done @!p0 $0x0  }
0x38: {  	s15 =	simm.s32 $0xC800;
	s11 =	sadd.s32 $0x0, s10;
	[sflag:s0] =	ssyncadd.s32 @!p0 $0xFFFFD800  }
0x39: {  	[spmem:s1] =	stream.indirect.scatter.add.f32 [tilespmem:s3], [sflag:$0x6], $0x80, s15, s17, $0xb8;
	[tilespmem:$0x16400] =	vst v63  }
0x3a: {  	s2 =	sadd.s32 $0xF00, s11  }
0x3b: {  	[tilespmem:s18], [sflag:$0x4] =	stream.linear.gather [hbm4b:s2+s3], $0x2800, $0x38;
	[tilespmem:$0x16400] =	vst v63  }
0x3c: {  	_ =	swait.ge [sflag:s19], $0x2800  }
0x3d: {  	[sflag:s19] =	ssyncset.done $0x0  }
0x3e: {  	s0 =	simm.s32 @!p0 $0xA;
	[sflag:s19] =	ssyncadd.s32 $0xFFFFD800  }
0x3f: {  	_ =	swait.ge @!p0 [sflag:s0], $0x2800  }
0x40: {  	[sflag:s0] =	ssyncset.done @!p0 $0x0  }
0x41: {  	s15 =	simm.s32 $0xC880;
	[sflag:s0] =	ssyncadd.s32 @!p0 $0xFFFFD800  }
0x42: {  	[spmem:s1] =	stream.indirect.scatter.add.f32 [tilespmem:s13], [sflag:$0x7], $0x80, s15, s17, $0xb8;
	[tilespmem:$0x16400] =	vst v63  }
0x43: {  	s2 =	sadd.s32 $0x1400, s11  }
0x44: {  	[tilespmem:s20], [sflag:$0x5] =	stream.linear.gather [hbm4b:s2+s3], $0x2800, $0x38;
	[tilespmem:$0x16400] =	vst v63  }
0x45: {  	_ =	swait.ge [sflag:s21], $0x2800  }
0x46: {  	[sflag:s21] =	ssyncset.done $0x0  }
0x47: {  	[sflag:s21] =	ssyncadd.s32 $0xFFFFD800  }
0x48: {  	_ =	swait.ge [sflag:s22], $0x2800  }
0x49: {  	[sflag:s22] =	ssyncset.done $0x0  }
0x4a: {  	s15 =	simm.s32 $0xC900;
	[sflag:s22] =	ssyncadd.s32 $0xFFFFD800  }
0x4b: {  	[spmem:s1] =	stream.indirect.scatter.add.f32 [tilespmem:s14], [sflag:$0x8], $0x80, s15, s17, $0xb8;
	[tilespmem:$0x16400] =	vst v63  }
0x4c: {  	s2 =	sadd.s32 $0x1900, s11  }
0x4d: {  	[tilespmem:s3], [sflag:$0x1] =	stream.linear.gather [hbm4b:s2+s3], $0x2800, $0x38;
	[tilespmem:$0x16400] =	vst v63  }
0x4e: {  	_ =	swait.ge [sflag:s23], $0x2800  }
0x4f: {  	[sflag:s23] =	ssyncset.done $0x0  }
0x50: {  	[sflag:s23] =	ssyncadd.s32 $0xFFFFD800  }
0x51: {  	_ =	swait.ge [sflag:s25], $0x2800  }
0x52: {  	[sflag:s25] =	ssyncset.done $0x0  }
0x53: {  	s15 =	simm.s32 $0xC980;
	[sflag:s25] =	ssyncadd.s32 $0xFFFFD800  }
0x54: {  	[spmem:s1] =	stream.indirect.scatter.add.f32 [tilespmem:s18], [sflag:$0x9], $0x80, s15, s17, $0xb8;
	[tilespmem:$0x16400] =	vst v63  }
0x55: {  	s2 =	sadd.s32 $0x1E00, s11  }
0x56: {  	[tilespmem:s13], [sflag:$0x2] =	stream.linear.gather [hbm4b:s2+s3], $0x2800, $0x38;
	[tilespmem:$0x16400] =	vst v63  }
0x57: {  	_ =	swait.ge [sflag:s26], $0x2800  }
0x58: {  	[sflag:s26] =	ssyncset.done $0x0  }
0x59: {  	[sflag:s26] =	ssyncadd.s32 $0xFFFFD800  }
0x5a: {  	_ =	swait.ge [sflag:s28], $0x2800  }
0x5b: {  	[sflag:s28] =	ssyncset.done $0x0  }
0x5c: {  	s15 =	simm.s32 $0xCA00;
	[sflag:s28] =	ssyncadd.s32 $0xFFFFD800  }
0x5d: {  	[spmem:s1] =	stream.indirect.scatter.add.f32 [tilespmem:s20], [sflag:$0xA], $0x80, s15, s17, $0xb8;
	[tilespmem:$0x16400] =	vst v63  }
0x5e: {  	s0 =	simm.s32 $0x1900;
	s15 =	sadd.s32 $0x2300, s11;
	s11 =	simm.s32 $0xCB80  }
.LBB2_4:
0x5f: {  	[tilespmem:s14], [sflag:$0x3] =	stream.linear.gather [hbm4b:s15+s3], $0x2800, $0x38;
	[tilespmem:$0x16400] =	vst v63  }
0x60: {  	s15 =	smov.u32 s0;
	s0 =	sadd.s32 $0x1900, s0;
	_ =	swait.ge [sflag:s16], $0x2800  }
0x61: {  	p1 =	seq.s32 s15, $0x0;
	p0 =	sne.s32 s0, $0xFA00;
	[sflag:s16] =	ssyncset.done $0x0  }
0x62: {  	s2 =	simm.s32 @!p1 $0x9;
	[sflag:s16] =	ssyncadd.s32 $0xFFFFD800  }
0x63: {  	_ =	swait.ge @!p1 [sflag:s2], $0x2800  }
0x64: {  	[sflag:s2] =	ssyncset.done @!p1 $0x0  }
0x65: {  	s15 =	sadd.s32 s15, s10;
	[sflag:s2] =	ssyncadd.s32 @!p1 $0xFFFFD800;
	s2 =	sadd.s32 $0xFFFFFF00, s11  }
0x66: {  	[spmem:s1] =	stream.indirect.scatter.add.f32 [tilespmem:s3], [sflag:$0x6], $0x80, s2, s17, $0xb8;
	[tilespmem:$0x16400] =	vst v63  }
0x67: {  	s2 =	sadd.s32 $0xF00, s15  }
0x68: {  	[tilespmem:s18], [sflag:$0x4] =	stream.linear.gather [hbm4b:s2+s3], $0x2800, $0x38;
	[tilespmem:$0x16400] =	vst v63  }
0x69: {  	_ =	swait.ge [sflag:s19], $0x2800  }
0x6a: {  	[sflag:s19] =	ssyncset.done $0x0  }
0x6b: {  	s2 =	simm.s32 @!p1 $0xA;
	[sflag:s19] =	ssyncadd.s32 $0xFFFFD800  }
0x6c: {  	_ =	swait.ge @!p1 [sflag:s2], $0x2800  }
0x6d: {  	[sflag:s2] =	ssyncset.done @!p1 $0x0  }
0x6e: {  	[sflag:s2] =	ssyncadd.s32 @!p1 $0xFFFFD800;
	s2 =	sadd.s32 $0xFFFFFF80, s11  }
0x6f: {  	[spmem:s1] =	stream.indirect.scatter.add.f32 [tilespmem:s13], [sflag:$0x7], $0x80, s2, s17, $0xb8;
	[tilespmem:$0x16400] =	vst v63  }
0x70: {  	s2 =	sadd.s32 $0x1400, s15  }
0x71: {  	[tilespmem:s20], [sflag:$0x5] =	stream.linear.gather [hbm4b:s2+s3], $0x2800, $0x38;
	[tilespmem:$0x16400] =	vst v63  }
0x72: {  	_ =	swait.ge [sflag:s21], $0x2800  }
0x73: {  	[sflag:s21] =	ssyncset.done $0x0  }
0x74: {  	[sflag:s21] =	ssyncadd.s32 $0xFFFFD800  }
0x75: {  	_ =	swait.ge [sflag:s22], $0x2800  }
0x76: {  	[sflag:s22] =	ssyncset.done $0x0  }
0x77: {  	[sflag:s22] =	ssyncadd.s32 $0xFFFFD800  }
0x78: {  	[spmem:s1] =	stream.indirect.scatter.add.f32 [tilespmem:s14], [sflag:$0x8], $0x80, s11, s17, $0xb8;
	[tilespmem:$0x16400] =	vst v63  }
0x79: {  	s2 =	sadd.s32 $0x1900, s15  }
0x7a: {  	[tilespmem:s3], [sflag:$0x1] =	stream.linear.gather [hbm4b:s2+s3], $0x2800, $0x38;
	[tilespmem:$0x16400] =	vst v63  }
0x7b: {  	_ =	swait.ge [sflag:s23], $0x2800  }
0x7c: {  	[sflag:s23] =	ssyncset.done $0x0  }
0x7d: {  	[sflag:s23] =	ssyncadd.s32 $0xFFFFD800  }
0x7e: {  	_ =	swait.ge [sflag:s25], $0x2800  }
0x7f: {  	[sflag:s25] =	ssyncset.done $0x0  }
0x80: {  	s2 =	sadd.s32 $0x80, s11;
	[sflag:s25] =	ssyncadd.s32 $0xFFFFD800  }
0x81: {  	[spmem:s1] =	stream.indirect.scatter.add.f32 [tilespmem:s18], [sflag:$0x9], $0x80, s2, s17, $0xb8;
	[tilespmem:$0x16400] =	vst v63  }
0x82: {  	s2 =	sadd.s32 $0x1E00, s15  }
0x83: {  	[tilespmem:s13], [sflag:$0x2] =	stream.linear.gather [hbm4b:s2+s3], $0x2800, $0x38;
	[tilespmem:$0x16400] =	vst v63  }
0x84: {  	_ =	swait.ge [sflag:s26], $0x2800  }
0x85: {  	[sflag:s26] =	ssyncset.done $0x0  }
0x86: {  	[sflag:s26] =	ssyncadd.s32 $0xFFFFD800  }
.Ltmp1:
0x87: {  	_ =	swait.ge [sflag:s28], $0x2800;
	(pc) =	sbr.rel @p0 .LBB2_4-.Ltmp1, $4  }
0x88: {  	[sflag:s28] =	ssyncset.done $0x0  }
0x89: {  	s2 =	sadd.s32 $0x100, s11;
	[sflag:s28] =	ssyncadd.s32 $0xFFFFD800  }
0x8a: {  	[spmem:s1] =	stream.indirect.scatter.add.f32 [tilespmem:s20], [sflag:$0xA], $0x80, s2, s17, $0xb8;
	[tilespmem:$0x16400] =	vst v63  }
0x8b: {  	s15 =	sadd.s32 $0x2300, s15;
	s11 =	sadd.s32 $0x280, s11  }
0x8c: {  	[tilespmem:s14], [sflag:$0x3] =	stream.linear.gather [hbm4b:s15+s3], $0x2800, $0x38;
	[tilespmem:$0x16400] =	vst v63  }
0x8d: {  	_ =	swait.ge [sflag:s16], $0x2800  }
0x8e: {  	[sflag:s16] =	ssyncset.done $0x0  }
0x8f: {  	[sflag:s16] =	ssyncadd.s32 $0xFFFFD800  }
0x90: {  	_ =	swait.ge [sflag:s19], $0x2800  }
0x91: {  	[sflag:s19] =	ssyncset.done $0x0  }
0x92: {  	[sflag:s19] =	ssyncadd.s32 $0xFFFFD800  }
0x93: {  	_ =	swait.ge [sflag:s21], $0x2800  }
0x94: {  	[sflag:s21] =	ssyncset.done $0x0  }
0x95: {  	[sflag:s21] =	ssyncadd.s32 $0xFFFFD800  }
0x96: {  	_ =	swait.ge [sflag:s29], $0x2800  }
0x97: {  	[sflag:s29] =	ssyncset.done $0x0  }
0x98: {  	[sflag:s29] =	ssyncadd.s32 $0xFFFFD800  }
0x99: {  	s0 =	stileid.u32;
	_ =	swait.ge [sflag:s30], $0x2800  }
0x9a: {  	s2 =	sshrl.u32 s8, $0x3;
	s31 =	sadd.s32 $0x1, s31;
	[sflag:s30] =	ssyncset.done $0x0  }
0x9b: {  	s0 =	sshll.u32 s0, $0x6;
	p0 =	sne.s32 s31, s9;
	[sflag:s30] =	ssyncadd.s32 $0xFFFFD800  }
.Ltmp2:
0x9c: {  	s0 =	sor.u32 $0x1C0B, s0;
	[bflag:$0x0] =	sbarrier.arrive $0xFFFF;
	(pc) =	sbr.rel @p0 .LBB2_1-.Ltmp2, $4  }
0x9d: {  	[hbm:s24], [sflag:s0] =	dma.local [spmem:s2], $0x800  }
0x9e: {  	_ =	swait.ge [sflag:s12], $0x800  }
0x9f: {  	[sflag:s12] =	ssyncset.done $0x0  }
0xa0: {  	[sflag:s12] =	ssyncadd.s32 $0xFFFFF800  }
0xa1: {  	_ =	sfence.sel $0x180000  }
0xa2: {  	[bflag:$0x0] =	sbarrier.arrive $0xFFFF  }
0xa3: {  	_ =	strace $0x90000047  }
0xa4: {  	s0 =	stileid.u32;
	[bflag:$0x2] =	sbarrier.arrive $0xFFFF  }
0xa5: {  	p0 =	sne.s32 s0, $0x0;
	s0 =	rddreg [dreg:$0x4]  }
0xa6: {  	s0 =	sadd.s32 @!p0 $0x100000, s0  }
0xa7: {  	[sflag:s0] =	ssyncadd.tile.s32 @!p0 $0x1;
	_ =	shalt  }
.Lfunc_end2:
_tile_overlayer_lowered:
.L_overlay_start_2:
0xa8: {  	(tag) =	ssettag $0x2  }
0xa9: {  	s0 =	rddreg [dreg:$0x0];
	s2 =	stileid.u32  }
0xaa: {  	s1 =	rddreg [dreg:$0x1];
	p0 =	sne.s32 s2, $0x0  }
0xab: {  	s3 =	rddreg [dreg:$0x2];
	[bflag:$0x3] =	sbarrier.arrive $0xFFFF;
	s2 =	simm.s32 @!p0 $0x1C0B  }
0xac: {  	[timem:s3], [sflag:s2] =	dma.local @!p0 [hbm:s0], s1  }
0xad: {  	s0 =	simm.s32 @!p0 $0xB  }
0xae: {  	_ =	swait.ge @!p0 [sflag:s0], s1  }
0xaf: {  	s1 =	ssub.s32 @!p0 $0x0, s1;
	[sflag:s0] =	ssyncset.done @!p0 $0x0  }
0xb0: {  	[sflag:s0] =	ssyncadd.s32 @!p0 s1  }
0xb1: {  	[bflag:$0x3] =	sbarrier.arrive $0xFFFF  }
0xb2: {  	_ =	shalt  }

</sc_bundles>
